<compile_context>
chip_gen: v7x
topology: tpu7x:2x2x1
jax: 0.10.2.dev20260603
libtpu: 0.0.44.dev20260713+nightly
codegen_flags: <defaults>
</compile_context>

<pallas_src>
import jax
import jax.numpy as jnp
from jax import lax
from jax.experimental import pallas as pl
from jax.experimental.pallas import tpu as pltpu
from jax.experimental.pallas import tpu_sc as plsc

NC = 2
NS = 16
L = 16
NW = NC * NS

BATCH = 4
SEQ = 2048
D = 1024

S_SC = 256
S_PER_W = S_SC // NW
CH_ROWS = 8
K_CH = S_PER_W // CH_ROWS
NIT = BATCH * K_CH
DEPTH = 7
AHEAD = 5

BLOCK_S = 256
MG_BS = 256
TC_BLOCKS = (SEQ - S_SC) // BLOCK_S
MG_BLOCKS = S_SC // MG_BS


def _sc_body(x_hbm, pe_hbm, out_hbm, peb, *rest):
    bufs = list(rest[:DEPTH])
    pes = rest[DEPTH]
    isems = list(rest[DEPTH + 1:DEPTH + 1 + DEPTH])
    osems = list(rest[DEPTH + 1 + DEPTH:DEPTH + 1 + 2 * DEPTH])

    w = lax.axis_index("s") * NC + lax.axis_index("c")
    s0 = w * S_PER_W

    pe_h = []
    for p in range(K_CH):
        pe_h.append(pltpu.async_copy(
            pe_hbm.at[pl.ds(s0 + p * CH_ROWS, CH_ROWS)],
            peb.at[pl.ds(p * CH_ROWS, CH_ROWS)], pes))

    def chunk_of(t):
        b, k = divmod(t, K_CH)
        return b, k

    def start_in(t):
        b, k = chunk_of(t)
        return pltpu.async_copy(
            x_hbm.at[b, pl.ds(s0 + k * CH_ROWS, CH_ROWS)],
            bufs[t % DEPTH], isems[t % DEPTH])

    def start_out(t):
        b, k = chunk_of(t)
        return pltpu.async_copy(
            bufs[t % DEPTH],
            out_hbm.at[b, pl.ds(s0 + k * CH_ROWS, CH_ROWS)], osems[t % DEPTH])

    in_h = {}
    out_h = {}
    for t in range(min(AHEAD, NIT)):
        in_h[t] = start_in(t)

    pe_waited = 0
    for t in range(NIT):
        b, k = chunk_of(t)
        xb = bufs[t % DEPTH]
        while pe_waited < min(k + 1, K_CH):
            pe_h[pe_waited].wait()
            pe_waited += 1
        in_h[t].wait()

        def row_body(r, carry, _xb=xb, _k=k):
            pr = _k * CH_ROWS + r

            @plsc.parallel_loop(0, D, step=L, unroll=8)
            def _add(i):
                _xb[r, pl.ds(i, L)] = _xb[r, pl.ds(i, L)] + peb[pr, pl.ds(i, L)]

            return carry

        lax.fori_loop(0, CH_ROWS, row_body, 0)

        out_h[t] = start_out(t)
        nt = t + AHEAD
        if nt < NIT:
            prev = nt - DEPTH
            if prev >= 0:
                out_h[prev].wait()
            in_h[nt] = start_in(nt)

    for t in range(max(0, NIT - DEPTH), NIT):
        if t in out_h:
            out_h[t].wait()


def _sc_call(x, pe):
    mesh = plsc.VectorSubcoreMesh(core_axis_name="c", subcore_axis_name="s")
    return pl.kernel(
        _sc_body,
        out_type=jax.ShapeDtypeStruct((BATCH, S_SC, D), jnp.float32),
        mesh=mesh,
        scratch_types=(
            [pltpu.VMEM((S_PER_W, D), jnp.float32)]
            + [pltpu.VMEM((CH_ROWS, D), jnp.float32) for _ in range(DEPTH)]
            + [pltpu.SemaphoreType.DMA for _ in range(1 + 2 * DEPTH)]
        ),
    )(x, pe)


def _tc_add_body(x_ref, pe_ref, o_ref):
    o_ref[...] = x_ref[...] + pe_ref[...][None, :, :]


def _tc_add(x, pe):
    base = S_SC // BLOCK_S
    return pl.pallas_call(
        _tc_add_body,
        grid=(TC_BLOCKS,),
        in_specs=[
            pl.BlockSpec((BATCH, BLOCK_S, D), lambda i: (0, i + base, 0)),
            pl.BlockSpec((BLOCK_S, D), lambda i: (i + base, 0)),
        ],
        out_specs=pl.BlockSpec((BATCH, BLOCK_S, D), lambda i: (0, i + base, 0)),
        out_shape=jax.ShapeDtypeStruct((BATCH, SEQ, D), jnp.float32),
    )(x, pe)


def _merge_body(osc_ref, _full_ref, o_ref):
    o_ref[...] = osc_ref[...]


def _merge(o_sc, o_full):
    return pl.pallas_call(
        _merge_body,
        grid=(MG_BLOCKS,),
        in_specs=[
            pl.BlockSpec((BATCH, MG_BS, D), lambda i: (0, i, 0)),
            pl.BlockSpec(memory_space=pltpu.MemorySpace.HBM),
        ],
        out_specs=pl.BlockSpec((BATCH, MG_BS, D), lambda i: (0, i, 0)),
        out_shape=jax.ShapeDtypeStruct((BATCH, SEQ, D), jnp.float32),
        input_output_aliases={1: 0},
    )(o_sc, o_full)


def kernel(x, pos_table):
    batch, seq_len, d_model = x.shape
    pe = pos_table[:seq_len]
    o_sc = _sc_call(x, pe)
    o_full = _tc_add(x, pe)
    return _merge(o_sc, o_full)

# --- scband reference (transcript-rebuilt; emitter-appended) ---
"""Pipeline reference for scband-learnable-positional-encoding-10359461118159 (READ-ONLY COPY).

The authoritative reference and input builder live on the scoring server;
editing this copy changes nothing except your own understanding.
"""

import jax, jax.numpy as jnp
import numpy as np

D_MODEL = 1024
MAX_LEN = 2048
BATCH = 4
SEQ_LEN = 2048


def setup_inputs(seed: int = 0) -> dict:
    key = jax.random.key(seed)
    k1, k2 = jax.random.split(key)
    x = jax.random.normal(k1, (BATCH, SEQ_LEN, D_MODEL), dtype=jnp.float32)
    # nn.Embedding default init: N(0, 1)
    pos_table = jax.random.normal(k2, (MAX_LEN, D_MODEL), dtype=jnp.float32)
    return {"x": x, "pos_table": pos_table}


def reference(x, pos_table):
    seq_len = x.shape[1]
    positions = jnp.arange(seq_len, dtype=jnp.int32)
    pe = jnp.take(pos_table, positions, axis=0)  # [seq_len, d_model]
    # add_x=True branch
    return x + pe[None, :, :]

if __name__ == "__main__":
    import jax
    _d = setup_inputs()
    print(jax.jit(kernel)(*tuple(_d.values())))

</pallas_src>

<mosaic_0001>
#map = affine_map<(d0, d1) -> (0, 0, 0)>
#map1 = affine_map<(d0, d1) -> (0, 0)>
module attributes {stable_mosaic.version = 14 : i64} {
  func.func @_sc_body(%arg0: i32, %arg1: i32, %arg2: memref<4x2048x1024xf32, #tpu.memory_space<hbm>>, %arg3: memref<2048x1024xf32, #tpu.memory_space<hbm>>, %arg4: memref<4x256x1024xf32, #tpu.memory_space<hbm>>, %arg5: memref<8x1024xf32, #tpu.memory_space<vmem>>, %arg6: memref<8x1024xf32, #tpu.memory_space<vmem>>, %arg7: memref<8x1024xf32, #tpu.memory_space<vmem>>, %arg8: memref<8x1024xf32, #tpu.memory_space<vmem>>, %arg9: memref<8x1024xf32, #tpu.memory_space<vmem>>, %arg10: memref<8x1024xf32, #tpu.memory_space<vmem>>, %arg11: memref<8x1024xf32, #tpu.memory_space<vmem>>, %arg12: memref<8x1024xf32, #tpu.memory_space<vmem>>, %arg13: memref<!tpu.dma_semaphore, #tpu.memory_space<semaphore_mem>>, %arg14: memref<!tpu.dma_semaphore, #tpu.memory_space<semaphore_mem>>, %arg15: memref<!tpu.dma_semaphore, #tpu.memory_space<semaphore_mem>>, %arg16: memref<!tpu.dma_semaphore, #tpu.memory_space<semaphore_mem>>, %arg17: memref<!tpu.dma_semaphore, #tpu.memory_space<semaphore_mem>>, %arg18: memref<!tpu.dma_semaphore, #tpu.memory_space<semaphore_mem>>, %arg19: memref<!tpu.dma_semaphore, #tpu.memory_space<semaphore_mem>>, %arg20: memref<!tpu.dma_semaphore, #tpu.memory_space<semaphore_mem>>, %arg21: memref<!tpu.dma_semaphore, #tpu.memory_space<semaphore_mem>>, %arg22: memref<!tpu.dma_semaphore, #tpu.memory_space<semaphore_mem>>, %arg23: memref<!tpu.dma_semaphore, #tpu.memory_space<semaphore_mem>>, %arg24: memref<!tpu.dma_semaphore, #tpu.memory_space<semaphore_mem>>, %arg25: memref<!tpu.dma_semaphore, #tpu.memory_space<semaphore_mem>>, %arg26: memref<!tpu.dma_semaphore, #tpu.memory_space<semaphore_mem>>, %arg27: memref<!tpu.dma_semaphore, #tpu.memory_space<semaphore_mem>>) attributes {dimension_semantics = [#tpu.dimension_semantics<core_parallel>, #tpu.dimension_semantics<subcore_parallel>], iteration_bounds = array<i64: 2, 16>, scalar_prefetch = 0 : i64, scratch_operands = 23 : i64, tpu.core_type = #tpu.core_type<sc_vector_subcore>, window_params = [{transform_indices = #map}, {transform_indices = #map1}, {transform_indices = #map}]} {
    %mul3A = arith.constant 2 : i32
    %mul3A_0 = arith.muli %arg1, %mul3A : i32
    %add3A = arith.addi %mul3A_0, %arg0 : i32
    %mul3A_1 = arith.constant 8 : i32
    %mul3A_2 = arith.muli %add3A, %mul3A_1 : i32
    %add3A_3 = arith.constant 0 : i32
    %add3A_4 = arith.addi %mul3A_2, %add3A_3 : i32
    %dma_start3A = arith.constant 0 : i32
    %dma_start3A_5 = arith.constant 0 : i32
    %dma_start3A_6 = tpu.memref_slice %arg5[%dma_start3A, %dma_start3A_5] : memref<8x1024xf32, #tpu.memory_space<vmem>> -> memref<8x1024xf32, #tpu.memory_space<vmem>>
    %dma_start3A_7 = arith.constant 0 : i32
    %dma_start3A_8 = tpu.memref_slice %arg3[%add3A_4, %dma_start3A_7] : memref<2048x1024xf32, #tpu.memory_space<hbm>> -> memref<8x1024xf32, #tpu.memory_space<hbm>>
    %dma_start3A_9 = arith.constant 0 : i32
    %dma_start3A_10 = arith.constant 0 : i32
    %dma_start3A_11 = tpu.memref_slice %arg5[%dma_start3A_9, %dma_start3A_10] : memref<8x1024xf32, #tpu.memory_space<vmem>> -> memref<8x1024xf32, #tpu.memory_space<vmem>>
    %dma_start3A_12 = arith.constant 0 : i32
    %dma_start3A_13 = tpu.memref_slice %arg3[%add3A_4, %dma_start3A_12] : memref<2048x1024xf32, #tpu.memory_space<hbm>> -> memref<8x1024xf32, #tpu.memory_space<hbm>>
    tpu.enqueue_dma source(%dma_start3A_13 : memref<8x1024xf32, #tpu.memory_space<hbm>>) target(%dma_start3A_11 : memref<8x1024xf32, #tpu.memory_space<vmem>>) target_semaphore(%arg13 : memref<!tpu.dma_semaphore, #tpu.memory_space<semaphore_mem>>)
    %add3A_14 = arith.constant 0 : i32
    %add3A_15 = arith.addi %mul3A_2, %add3A_14 : i32
    %dma_start3A_16 = arith.constant 0 : i32
    %dma_start3A_17 = arith.constant 0 : i32
    %dma_start3A_18 = tpu.memref_slice %arg2[%dma_start3A_16, %add3A_15, %dma_start3A_17] : memref<4x2048x1024xf32, #tpu.memory_space<hbm>> -> memref<1x8x1024xf32, #tpu.memory_space<hbm>>
    %dma_start3A_19 = tpu.memref_squeeze %dma_start3A_18 : memref<1x8x1024xf32, #tpu.memory_space<hbm>> -> memref<8x1024xf32, #tpu.memory_space<hbm>>
    %dma_start3A_20 = arith.constant 0 : i32
    %dma_start3A_21 = tpu.memref_slice %arg2[%dma_start3A_16, %add3A_15, %dma_start3A_20] : memref<4x2048x1024xf32, #tpu.memory_space<hbm>> -> memref<1x8x1024xf32, #tpu.memory_space<hbm>>
    %dma_start3A_22 = tpu.memref_squeeze %dma_start3A_21 : memref<1x8x1024xf32, #tpu.memory_space<hbm>> -> memref<8x1024xf32, #tpu.memory_space<hbm>>
    tpu.enqueue_dma source(%dma_start3A_22 : memref<8x1024xf32, #tpu.memory_space<hbm>>) target(%arg6 : memref<8x1024xf32, #tpu.memory_space<vmem>>) target_semaphore(%arg14 : memref<!tpu.dma_semaphore, #tpu.memory_space<semaphore_mem>>)
    %add3A_23 = arith.constant 0 : i32
    %add3A_24 = arith.addi %mul3A_2, %add3A_23 : i32
    %dma_start3A_25 = arith.constant 1 : i32
    %dma_start3A_26 = arith.constant 0 : i32
    %dma_start3A_27 = tpu.memref_slice %arg2[%dma_start3A_25, %add3A_24, %dma_start3A_26] : memref<4x2048x1024xf32, #tpu.memory_space<hbm>> -> memref<1x8x1024xf32, #tpu.memory_space<hbm>>
    %dma_start3A_28 = tpu.memref_squeeze %dma_start3A_27 : memref<1x8x1024xf32, #tpu.memory_space<hbm>> -> memref<8x1024xf32, #tpu.memory_space<hbm>>
    %dma_start3A_29 = arith.constant 0 : i32
    %dma_start3A_30 = tpu.memref_slice %arg2[%dma_start3A_25, %add3A_24, %dma_start3A_29] : memref<4x2048x1024xf32, #tpu.memory_space<hbm>> -> memref<1x8x1024xf32, #tpu.memory_space<hbm>>
    %dma_start3A_31 = tpu.memref_squeeze %dma_start3A_30 : memref<1x8x1024xf32, #tpu.memory_space<hbm>> -> memref<8x1024xf32, #tpu.memory_space<hbm>>
    tpu.enqueue_dma source(%dma_start3A_31 : memref<8x1024xf32, #tpu.memory_space<hbm>>) target(%arg7 : memref<8x1024xf32, #tpu.memory_space<vmem>>) target_semaphore(%arg15 : memref<!tpu.dma_semaphore, #tpu.memory_space<semaphore_mem>>)
    %add3A_32 = arith.constant 0 : i32
    %add3A_33 = arith.addi %mul3A_2, %add3A_32 : i32
    %dma_start3A_34 = arith.constant 2 : i32
    %dma_start3A_35 = arith.constant 0 : i32
    %dma_start3A_36 = tpu.memref_slice %arg2[%dma_start3A_34, %add3A_33, %dma_start3A_35] : memref<4x2048x1024xf32, #tpu.memory_space<hbm>> -> memref<1x8x1024xf32, #tpu.memory_space<hbm>>
    %dma_start3A_37 = tpu.memref_squeeze %dma_start3A_36 : memref<1x8x1024xf32, #tpu.memory_space<hbm>> -> memref<8x1024xf32, #tpu.memory_space<hbm>>
    %dma_start3A_38 = arith.constant 0 : i32
    %dma_start3A_39 = tpu.memref_slice %arg2[%dma_start3A_34, %add3A_33, %dma_start3A_38] : memref<4x2048x1024xf32, #tpu.memory_space<hbm>> -> memref<1x8x1024xf32, #tpu.memory_space<hbm>>
    %dma_start3A_40 = tpu.memref_squeeze %dma_start3A_39 : memref<1x8x1024xf32, #tpu.memory_space<hbm>> -> memref<8x1024xf32, #tpu.memory_space<hbm>>
    tpu.enqueue_dma source(%dma_start3A_40 : memref<8x1024xf32, #tpu.memory_space<hbm>>) target(%arg8 : memref<8x1024xf32, #tpu.memory_space<vmem>>) target_semaphore(%arg16 : memref<!tpu.dma_semaphore, #tpu.memory_space<semaphore_mem>>)
    %add3A_41 = arith.constant 0 : i32
    %add3A_42 = arith.addi %mul3A_2, %add3A_41 : i32
    %dma_start3A_43 = arith.constant 3 : i32
    %dma_start3A_44 = arith.constant 0 : i32
    %dma_start3A_45 = tpu.memref_slice %arg2[%dma_start3A_43, %add3A_42, %dma_start3A_44] : memref<4x2048x1024xf32, #tpu.memory_space<hbm>> -> memref<1x8x1024xf32, #tpu.memory_space<hbm>>
    %dma_start3A_46 = tpu.memref_squeeze %dma_start3A_45 : memref<1x8x1024xf32, #tpu.memory_space<hbm>> -> memref<8x1024xf32, #tpu.memory_space<hbm>>
    %dma_start3A_47 = arith.constant 0 : i32
    %dma_start3A_48 = tpu.memref_slice %arg2[%dma_start3A_43, %add3A_42, %dma_start3A_47] : memref<4x2048x1024xf32, #tpu.memory_space<hbm>> -> memref<1x8x1024xf32, #tpu.memory_space<hbm>>
    %dma_start3A_49 = tpu.memref_squeeze %dma_start3A_48 : memref<1x8x1024xf32, #tpu.memory_space<hbm>> -> memref<8x1024xf32, #tpu.memory_space<hbm>>
    tpu.enqueue_dma source(%dma_start3A_49 : memref<8x1024xf32, #tpu.memory_space<hbm>>) target(%arg9 : memref<8x1024xf32, #tpu.memory_space<vmem>>) target_semaphore(%arg17 : memref<!tpu.dma_semaphore, #tpu.memory_space<semaphore_mem>>)
    %dma_wait3A = arith.constant 0 : i32
    %dma_wait3A_50 = arith.constant 0 : i32
    %dma_wait3A_51 = tpu.memref_slice %arg5[%dma_wait3A, %dma_wait3A_50] : memref<8x1024xf32, #tpu.memory_space<vmem>> -> memref<8x1024xf32, #tpu.memory_space<vmem>>
    %dma_wait3A_52 = arith.constant 0 : i32
    %dma_wait3A_53 = tpu.memref_slice %arg3[%add3A_4, %dma_wait3A_52] : memref<2048x1024xf32, #tpu.memory_space<hbm>> -> memref<8x1024xf32, #tpu.memory_space<hbm>>
    %dma_wait3A_54 = arith.constant 0 : i32
    %dma_wait3A_55 = arith.constant 0 : i32
    %dma_wait3A_56 = tpu.memref_slice %arg5[%dma_wait3A_54, %dma_wait3A_55] : memref<8x1024xf32, #tpu.memory_space<vmem>> -> memref<8x1024xf32, #tpu.memory_space<vmem>>
    %dma_wait3A_57 = arith.constant 0 : i32
    %dma_wait3A_58 = tpu.memref_slice %arg3[%add3A_4, %dma_wait3A_57] : memref<2048x1024xf32, #tpu.memory_space<hbm>> -> memref<8x1024xf32, #tpu.memory_space<hbm>>
    tpu.wait_dma2 semaphore(%arg13 : memref<!tpu.dma_semaphore, #tpu.memory_space<semaphore_mem>>) src(%dma_wait3A_58 : memref<8x1024xf32, #tpu.memory_space<hbm>>) dst(%dma_wait3A_56 : memref<8x1024xf32, #tpu.memory_space<vmem>>)
    %dma_wait3A_59 = arith.constant 0 : i32
    %dma_wait3A_60 = arith.constant 0 : i32
    %dma_wait3A_61 = tpu.memref_slice %arg2[%dma_wait3A_59, %add3A_15, %dma_wait3A_60] : memref<4x2048x1024xf32, #tpu.memory_space<hbm>> -> memref<1x8x1024xf32, #tpu.memory_space<hbm>>
    %dma_wait3A_62 = tpu.memref_squeeze %dma_wait3A_61 : memref<1x8x1024xf32, #tpu.memory_space<hbm>> -> memref<8x1024xf32, #tpu.memory_space<hbm>>
    %dma_wait3A_63 = arith.constant 0 : i32
    %dma_wait3A_64 = tpu.memref_slice %arg2[%dma_wait3A_59, %add3A_15, %dma_wait3A_63] : memref<4x2048x1024xf32, #tpu.memory_space<hbm>> -> memref<1x8x1024xf32, #tpu.memory_space<hbm>>
    %dma_wait3A_65 = tpu.memref_squeeze %dma_wait3A_64 : memref<1x8x1024xf32, #tpu.memory_space<hbm>> -> memref<8x1024xf32, #tpu.memory_space<hbm>>
    tpu.wait_dma2 semaphore(%arg14 : memref<!tpu.dma_semaphore, #tpu.memory_space<semaphore_mem>>) src(%dma_wait3A_65 : memref<8x1024xf32, #tpu.memory_space<hbm>>) dst(%arg6 : memref<8x1024xf32, #tpu.memory_space<vmem>>)
    %scan3A = arith.constant 0 : i32
    %scan3A_66 = arith.constant 0 : i32
    %scan3A_67 = arith.constant 8 : i32
    %scan3A_68 = arith.addi %scan3A_66, %scan3A_67 : i32
    %scan3A_69 = arith.constant 1 : i32
    scf.for %scan3A_174 = %scan3A_66 to %scan3A_68 step %scan3A_69  : i32 {
      %add3A_175 = arith.constant 0 : i32
      %add3A_176 = arith.addi %add3A_175, %scan3A_174 : i32
      %parallel_loop3A = arith.constant 0 : i32
      %parallel_loop3A_177 = arith.constant 1024 : i32
      %parallel_loop3A_178 = arith.constant 16 : i32
      scf.for %parallel_loop3A_179 = %parallel_loop3A to %parallel_loop3A_177 step %parallel_loop3A_178  : i32 {
        %parallel_loop3A_180 = arith.index_cast %scan3A_174 : i32 to index
        %parallel_loop3A_181 = arith.index_cast %parallel_loop3A_179 : i32 to index
        %parallel_loop3A_182 = tpu.vector_load %arg6[%parallel_loop3A_180, %parallel_loop3A_181] {strides = array<i32>} : memref<8x1024xf32, #tpu.memory_space<vmem>>, vector<1x16xf32>,
        %parallel_loop3A_183 = vector.shape_cast %parallel_loop3A_182 : vector<1x16xf32> to vector<16xf32>
        %parallel_loop3A_184 = arith.index_cast %add3A_176 : i32 to index
        %parallel_loop3A_185 = arith.index_cast %parallel_loop3A_179 : i32 to index
        %parallel_loop3A_186 = tpu.vector_load %arg5[%parallel_loop3A_184, %parallel_loop3A_185] {strides = array<i32>} : memref<8x1024xf32, #tpu.memory_space<vmem>>, vector<1x16xf32>,
        %parallel_loop3A_187 = vector.shape_cast %parallel_loop3A_186 : vector<1x16xf32> to vector<16xf32>
        %parallel_loop3A_188 = arith.addf %parallel_loop3A_183, %parallel_loop3A_187 : vector<16xf32>
        %parallel_loop3A_189 = arith.index_cast %scan3A_174 : i32 to index
        %parallel_loop3A_190 = arith.index_cast %parallel_loop3A_179 : i32 to index
        %parallel_loop3A_191 = tpu.vector_load %arg6[%parallel_loop3A_189, %parallel_loop3A_190] {strides = array<i32>} : memref<8x1024xf32, #tpu.memory_space<vmem>>, vector<1x16xf32>,
        %parallel_loop3A_192 = vector.shape_cast %parallel_loop3A_191 : vector<1x16xf32> to vector<16xf32>
        %parallel_loop3A_193 = vector.shape_cast %parallel_loop3A_188 : vector<16xf32> to vector<1x16xf32>
        tpu.vector_store %arg6[%parallel_loop3A_189, %parallel_loop3A_190], %parallel_loop3A_193 {strides = array<i32>} : memref<8x1024xf32, #tpu.memory_space<vmem>>, vector<1x16xf32>,
      } {sc.loop_unroll_factor = 8 : i64, sc.parallel_access}
    }
    %scan3A_70 = arith.constant 8 : i32
    %add3A_71 = arith.constant 0 : i32
    %add3A_72 = arith.addi %mul3A_2, %add3A_71 : i32
    %dma_start3A_73 = arith.constant 0 : i32
    %dma_start3A_74 = arith.constant 0 : i32
    %dma_start3A_75 = tpu.memref_slice %arg4[%dma_start3A_73, %add3A_72, %dma_start3A_74] : memref<4x256x1024xf32, #tpu.memory_space<hbm>> -> memref<1x8x1024xf32, #tpu.memory_space<hbm>>
    %dma_start3A_76 = tpu.memref_squeeze %dma_start3A_75 : memref<1x8x1024xf32, #tpu.memory_space<hbm>> -> memref<8x1024xf32, #tpu.memory_space<hbm>>
    %dma_start3A_77 = arith.constant 0 : i32
    %dma_start3A_78 = tpu.memref_slice %arg4[%dma_start3A_73, %add3A_72, %dma_start3A_77] : memref<4x256x1024xf32, #tpu.memory_space<hbm>> -> memref<1x8x1024xf32, #tpu.memory_space<hbm>>
    %dma_start3A_79 = tpu.memref_squeeze %dma_start3A_78 : memref<1x8x1024xf32, #tpu.memory_space<hbm>> -> memref<8x1024xf32, #tpu.memory_space<hbm>>
    tpu.enqueue_dma source(%arg6 : memref<8x1024xf32, #tpu.memory_space<vmem>>) target(%dma_start3A_79 : memref<8x1024xf32, #tpu.memory_space<hbm>>) target_semaphore(%arg21 : memref<!tpu.dma_semaphore, #tpu.memory_space<semaphore_mem>>)
    %dma_wait3A_80 = arith.constant 1 : i32
    %dma_wait3A_81 = arith.constant 0 : i32
    %dma_wait3A_82 = tpu.memref_slice %arg2[%dma_wait3A_80, %add3A_24, %dma_wait3A_81] : memref<4x2048x1024xf32, #tpu.memory_space<hbm>> -> memref<1x8x1024xf32, #tpu.memory_space<hbm>>
    %dma_wait3A_83 = tpu.memref_squeeze %dma_wait3A_82 : memref<1x8x1024xf32, #tpu.memory_space<hbm>> -> memref<8x1024xf32, #tpu.memory_space<hbm>>
    %dma_wait3A_84 = arith.constant 0 : i32
    %dma_wait3A_85 = tpu.memref_slice %arg2[%dma_wait3A_80, %add3A_24, %dma_wait3A_84] : memref<4x2048x1024xf32, #tpu.memory_space<hbm>> -> memref<1x8x1024xf32, #tpu.memory_space<hbm>>
    %dma_wait3A_86 = tpu.memref_squeeze %dma_wait3A_85 : memref<1x8x1024xf32, #tpu.memory_space<hbm>> -> memref<8x1024xf32, #tpu.memory_space<hbm>>
    tpu.wait_dma2 semaphore(%arg15 : memref<!tpu.dma_semaphore, #tpu.memory_space<semaphore_mem>>) src(%dma_wait3A_86 : memref<8x1024xf32, #tpu.memory_space<hbm>>) dst(%arg7 : memref<8x1024xf32, #tpu.memory_space<vmem>>)
    %scan3A_87 = arith.constant 0 : i32
    %scan3A_88 = arith.constant 0 : i32
    %scan3A_89 = arith.constant 8 : i32
    %scan3A_90 = arith.addi %scan3A_88, %scan3A_89 : i32
    %scan3A_91 = arith.constant 1 : i32
    scf.for %scan3A_174 = %scan3A_88 to %scan3A_90 step %scan3A_91  : i32 {
      %add3A_175 = arith.constant 0 : i32
      %add3A_176 = arith.addi %add3A_175, %scan3A_174 : i32
      %parallel_loop3A = arith.constant 0 : i32
      %parallel_loop3A_177 = arith.constant 1024 : i32
      %parallel_loop3A_178 = arith.constant 16 : i32
      scf.for %parallel_loop3A_179 = %parallel_loop3A to %parallel_loop3A_177 step %parallel_loop3A_178  : i32 {
        %parallel_loop3A_180 = arith.index_cast %scan3A_174 : i32 to index
        %parallel_loop3A_181 = arith.index_cast %parallel_loop3A_179 : i32 to index
        %parallel_loop3A_182 = tpu.vector_load %arg7[%parallel_loop3A_180, %parallel_loop3A_181] {strides = array<i32>} : memref<8x1024xf32, #tpu.memory_space<vmem>>, vector<1x16xf32>,
        %parallel_loop3A_183 = vector.shape_cast %parallel_loop3A_182 : vector<1x16xf32> to vector<16xf32>
        %parallel_loop3A_184 = arith.index_cast %add3A_176 : i32 to index
        %parallel_loop3A_185 = arith.index_cast %parallel_loop3A_179 : i32 to index
        %parallel_loop3A_186 = tpu.vector_load %arg5[%parallel_loop3A_184, %parallel_loop3A_185] {strides = array<i32>} : memref<8x1024xf32, #tpu.memory_space<vmem>>, vector<1x16xf32>,
        %parallel_loop3A_187 = vector.shape_cast %parallel_loop3A_186 : vector<1x16xf32> to vector<16xf32>
        %parallel_loop3A_188 = arith.addf %parallel_loop3A_183, %parallel_loop3A_187 : vector<16xf32>
        %parallel_loop3A_189 = arith.index_cast %scan3A_174 : i32 to index
        %parallel_loop3A_190 = arith.index_cast %parallel_loop3A_179 : i32 to index
        %parallel_loop3A_191 = tpu.vector_load %arg7[%parallel_loop3A_189, %parallel_loop3A_190] {strides = array<i32>} : memref<8x1024xf32, #tpu.memory_space<vmem>>, vector<1x16xf32>,
        %parallel_loop3A_192 = vector.shape_cast %parallel_loop3A_191 : vector<1x16xf32> to vector<16xf32>
        %parallel_loop3A_193 = vector.shape_cast %parallel_loop3A_188 : vector<16xf32> to vector<1x16xf32>
        tpu.vector_store %arg7[%parallel_loop3A_189, %parallel_loop3A_190], %parallel_loop3A_193 {strides = array<i32>} : memref<8x1024xf32, #tpu.memory_space<vmem>>, vector<1x16xf32>,
      } {sc.loop_unroll_factor = 8 : i64, sc.parallel_access}
    }
    %scan3A_92 = arith.constant 8 : i32
    %add3A_93 = arith.constant 0 : i32
    %add3A_94 = arith.addi %mul3A_2, %add3A_93 : i32
    %dma_start3A_95 = arith.constant 1 : i32
    %dma_start3A_96 = arith.constant 0 : i32
    %dma_start3A_97 = tpu.memref_slice %arg4[%dma_start3A_95, %add3A_94, %dma_start3A_96] : memref<4x256x1024xf32, #tpu.memory_space<hbm>> -> memref<1x8x1024xf32, #tpu.memory_space<hbm>>
    %dma_start3A_98 = tpu.memref_squeeze %dma_start3A_97 : memref<1x8x1024xf32, #tpu.memory_space<hbm>> -> memref<8x1024xf32, #tpu.memory_space<hbm>>
    %dma_start3A_99 = arith.constant 0 : i32
    %dma_start3A_100 = tpu.memref_slice %arg4[%dma_start3A_95, %add3A_94, %dma_start3A_99] : memref<4x256x1024xf32, #tpu.memory_space<hbm>> -> memref<1x8x1024xf32, #tpu.memory_space<hbm>>
    %dma_start3A_101 = tpu.memref_squeeze %dma_start3A_100 : memref<1x8x1024xf32, #tpu.memory_space<hbm>> -> memref<8x1024xf32, #tpu.memory_space<hbm>>
    tpu.enqueue_dma source(%arg7 : memref<8x1024xf32, #tpu.memory_space<vmem>>) target(%dma_start3A_101 : memref<8x1024xf32, #tpu.memory_space<hbm>>) target_semaphore(%arg22 : memref<!tpu.dma_semaphore, #tpu.memory_space<semaphore_mem>>)
    %dma_wait3A_102 = arith.constant 2 : i32
    %dma_wait3A_103 = arith.constant 0 : i32
    %dma_wait3A_104 = tpu.memref_slice %arg2[%dma_wait3A_102, %add3A_33, %dma_wait3A_103] : memref<4x2048x1024xf32, #tpu.memory_space<hbm>> -> memref<1x8x1024xf32, #tpu.memory_space<hbm>>
    %dma_wait3A_105 = tpu.memref_squeeze %dma_wait3A_104 : memref<1x8x1024xf32, #tpu.memory_space<hbm>> -> memref<8x1024xf32, #tpu.memory_space<hbm>>
    %dma_wait3A_106 = arith.constant 0 : i32
    %dma_wait3A_107 = tpu.memref_slice %arg2[%dma_wait3A_102, %add3A_33, %dma_wait3A_106] : memref<4x2048x1024xf32, #tpu.memory_space<hbm>> -> memref<1x8x1024xf32, #tpu.memory_space<hbm>>
    %dma_wait3A_108 = tpu.memref_squeeze %dma_wait3A_107 : memref<1x8x1024xf32, #tpu.memory_space<hbm>> -> memref<8x1024xf32, #tpu.memory_space<hbm>>
    tpu.wait_dma2 semaphore(%arg16 : memref<!tpu.dma_semaphore, #tpu.memory_space<semaphore_mem>>) src(%dma_wait3A_108 : memref<8x1024xf32, #tpu.memory_space<hbm>>) dst(%arg8 : memref<8x1024xf32, #tpu.memory_space<vmem>>)
    %scan3A_109 = arith.constant 0 : i32
    %scan3A_110 = arith.constant 0 : i32
    %scan3A_111 = arith.constant 8 : i32
    %scan3A_112 = arith.addi %scan3A_110, %scan3A_111 : i32
    %scan3A_113 = arith.constant 1 : i32
    scf.for %scan3A_174 = %scan3A_110 to %scan3A_112 step %scan3A_113  : i32 {
      %add3A_175 = arith.constant 0 : i32
      %add3A_176 = arith.addi %add3A_175, %scan3A_174 : i32
      %parallel_loop3A = arith.constant 0 : i32
      %parallel_loop3A_177 = arith.constant 1024 : i32
      %parallel_loop3A_178 = arith.constant 16 : i32
      scf.for %parallel_loop3A_179 = %parallel_loop3A to %parallel_loop3A_177 step %parallel_loop3A_178  : i32 {
        %parallel_loop3A_180 = arith.index_cast %scan3A_174 : i32 to index
        %parallel_loop3A_181 = arith.index_cast %parallel_loop3A_179 : i32 to index
        %parallel_loop3A_182 = tpu.vector_load %arg8[%parallel_loop3A_180, %parallel_loop3A_181] {strides = array<i32>} : memref<8x1024xf32, #tpu.memory_space<vmem>>, vector<1x16xf32>,
        %parallel_loop3A_183 = vector.shape_cast %parallel_loop3A_182 : vector<1x16xf32> to vector<16xf32>
        %parallel_loop3A_184 = arith.index_cast %add3A_176 : i32 to index
        %parallel_loop3A_185 = arith.index_cast %parallel_loop3A_179 : i32 to index
        %parallel_loop3A_186 = tpu.vector_load %arg5[%parallel_loop3A_184, %parallel_loop3A_185] {strides = array<i32>} : memref<8x1024xf32, #tpu.memory_space<vmem>>, vector<1x16xf32>,
        %parallel_loop3A_187 = vector.shape_cast %parallel_loop3A_186 : vector<1x16xf32> to vector<16xf32>
        %parallel_loop3A_188 = arith.addf %parallel_loop3A_183, %parallel_loop3A_187 : vector<16xf32>
        %parallel_loop3A_189 = arith.index_cast %scan3A_174 : i32 to index
        %parallel_loop3A_190 = arith.index_cast %parallel_loop3A_179 : i32 to index
        %parallel_loop3A_191 = tpu.vector_load %arg8[%parallel_loop3A_189, %parallel_loop3A_190] {strides = array<i32>} : memref<8x1024xf32, #tpu.memory_space<vmem>>, vector<1x16xf32>,
        %parallel_loop3A_192 = vector.shape_cast %parallel_loop3A_191 : vector<1x16xf32> to vector<16xf32>
        %parallel_loop3A_193 = vector.shape_cast %parallel_loop3A_188 : vector<16xf32> to vector<1x16xf32>
        tpu.vector_store %arg8[%parallel_loop3A_189, %parallel_loop3A_190], %parallel_loop3A_193 {strides = array<i32>} : memref<8x1024xf32, #tpu.memory_space<vmem>>, vector<1x16xf32>,
      } {sc.loop_unroll_factor = 8 : i64, sc.parallel_access}
    }
    %scan3A_114 = arith.constant 8 : i32
    %add3A_115 = arith.constant 0 : i32
    %add3A_116 = arith.addi %mul3A_2, %add3A_115 : i32
    %dma_start3A_117 = arith.constant 2 : i32
    %dma_start3A_118 = arith.constant 0 : i32
    %dma_start3A_119 = tpu.memref_slice %arg4[%dma_start3A_117, %add3A_116, %dma_start3A_118] : memref<4x256x1024xf32, #tpu.memory_space<hbm>> -> memref<1x8x1024xf32, #tpu.memory_space<hbm>>
    %dma_start3A_120 = tpu.memref_squeeze %dma_start3A_119 : memref<1x8x1024xf32, #tpu.memory_space<hbm>> -> memref<8x1024xf32, #tpu.memory_space<hbm>>
    %dma_start3A_121 = arith.constant 0 : i32
    %dma_start3A_122 = tpu.memref_slice %arg4[%dma_start3A_117, %add3A_116, %dma_start3A_121] : memref<4x256x1024xf32, #tpu.memory_space<hbm>> -> memref<1x8x1024xf32, #tpu.memory_space<hbm>>
    %dma_start3A_123 = tpu.memref_squeeze %dma_start3A_122 : memref<1x8x1024xf32, #tpu.memory_space<hbm>> -> memref<8x1024xf32, #tpu.memory_space<hbm>>
    tpu.enqueue_dma source(%arg8 : memref<8x1024xf32, #tpu.memory_space<vmem>>) target(%dma_start3A_123 : memref<8x1024xf32, #tpu.memory_space<hbm>>) target_semaphore(%arg23 : memref<!tpu.dma_semaphore, #tpu.memory_space<semaphore_mem>>)
    %dma_wait3A_124 = arith.constant 3 : i32
    %dma_wait3A_125 = arith.constant 0 : i32
    %dma_wait3A_126 = tpu.memref_slice %arg2[%dma_wait3A_124, %add3A_42, %dma_wait3A_125] : memref<4x2048x1024xf32, #tpu.memory_space<hbm>> -> memref<1x8x1024xf32, #tpu.memory_space<hbm>>
    %dma_wait3A_127 = tpu.memref_squeeze %dma_wait3A_126 : memref<1x8x1024xf32, #tpu.memory_space<hbm>> -> memref<8x1024xf32, #tpu.memory_space<hbm>>
    %dma_wait3A_128 = arith.constant 0 : i32
    %dma_wait3A_129 = tpu.memref_slice %arg2[%dma_wait3A_124, %add3A_42, %dma_wait3A_128] : memref<4x2048x1024xf32, #tpu.memory_space<hbm>> -> memref<1x8x1024xf32, #tpu.memory_space<hbm>>
    %dma_wait3A_130 = tpu.memref_squeeze %dma_wait3A_129 : memref<1x8x1024xf32, #tpu.memory_space<hbm>> -> memref<8x1024xf32, #tpu.memory_space<hbm>>
    tpu.wait_dma2 semaphore(%arg17 : memref<!tpu.dma_semaphore, #tpu.memory_space<semaphore_mem>>) src(%dma_wait3A_130 : memref<8x1024xf32, #tpu.memory_space<hbm>>) dst(%arg9 : memref<8x1024xf32, #tpu.memory_space<vmem>>)
    %scan3A_131 = arith.constant 0 : i32
    %scan3A_132 = arith.constant 0 : i32
    %scan3A_133 = arith.constant 8 : i32
    %scan3A_134 = arith.addi %scan3A_132, %scan3A_133 : i32
    %scan3A_135 = arith.constant 1 : i32
    scf.for %scan3A_174 = %scan3A_132 to %scan3A_134 step %scan3A_135  : i32 {
      %add3A_175 = arith.constant 0 : i32
      %add3A_176 = arith.addi %add3A_175, %scan3A_174 : i32
      %parallel_loop3A = arith.constant 0 : i32
      %parallel_loop3A_177 = arith.constant 1024 : i32
      %parallel_loop3A_178 = arith.constant 16 : i32
      scf.for %parallel_loop3A_179 = %parallel_loop3A to %parallel_loop3A_177 step %parallel_loop3A_178  : i32 {
        %parallel_loop3A_180 = arith.index_cast %scan3A_174 : i32 to index
        %parallel_loop3A_181 = arith.index_cast %parallel_loop3A_179 : i32 to index
        %parallel_loop3A_182 = tpu.vector_load %arg9[%parallel_loop3A_180, %parallel_loop3A_181] {strides = array<i32>} : memref<8x1024xf32, #tpu.memory_space<vmem>>, vector<1x16xf32>,
        %parallel_loop3A_183 = vector.shape_cast %parallel_loop3A_182 : vector<1x16xf32> to vector<16xf32>
        %parallel_loop3A_184 = arith.index_cast %add3A_176 : i32 to index
        %parallel_loop3A_185 = arith.index_cast %parallel_loop3A_179 : i32 to index
        %parallel_loop3A_186 = tpu.vector_load %arg5[%parallel_loop3A_184, %parallel_loop3A_185] {strides = array<i32>} : memref<8x1024xf32, #tpu.memory_space<vmem>>, vector<1x16xf32>,
        %parallel_loop3A_187 = vector.shape_cast %parallel_loop3A_186 : vector<1x16xf32> to vector<16xf32>
        %parallel_loop3A_188 = arith.addf %parallel_loop3A_183, %parallel_loop3A_187 : vector<16xf32>
        %parallel_loop3A_189 = arith.index_cast %scan3A_174 : i32 to index
        %parallel_loop3A_190 = arith.index_cast %parallel_loop3A_179 : i32 to index
        %parallel_loop3A_191 = tpu.vector_load %arg9[%parallel_loop3A_189, %parallel_loop3A_190] {strides = array<i32>} : memref<8x1024xf32, #tpu.memory_space<vmem>>, vector<1x16xf32>,
        %parallel_loop3A_192 = vector.shape_cast %parallel_loop3A_191 : vector<1x16xf32> to vector<16xf32>
        %parallel_loop3A_193 = vector.shape_cast %parallel_loop3A_188 : vector<16xf32> to vector<1x16xf32>
        tpu.vector_store %arg9[%parallel_loop3A_189, %parallel_loop3A_190], %parallel_loop3A_193 {strides = array<i32>} : memref<8x1024xf32, #tpu.memory_space<vmem>>, vector<1x16xf32>,
      } {sc.loop_unroll_factor = 8 : i64, sc.parallel_access}
    }
    %scan3A_136 = arith.constant 8 : i32
    %add3A_137 = arith.constant 0 : i32
    %add3A_138 = arith.addi %mul3A_2, %add3A_137 : i32
    %dma_start3A_139 = arith.constant 3 : i32
    %dma_start3A_140 = arith.constant 0 : i32
    %dma_start3A_141 = tpu.memref_slice %arg4[%dma_start3A_139, %add3A_138, %dma_start3A_140] : memref<4x256x1024xf32, #tpu.memory_space<hbm>> -> memref<1x8x1024xf32, #tpu.memory_space<hbm>>
    %dma_start3A_142 = tpu.memref_squeeze %dma_start3A_141 : memref<1x8x1024xf32, #tpu.memory_space<hbm>> -> memref<8x1024xf32, #tpu.memory_space<hbm>>
    %dma_start3A_143 = arith.constant 0 : i32
    %dma_start3A_144 = tpu.memref_slice %arg4[%dma_start3A_139, %add3A_138, %dma_start3A_143] : memref<4x256x1024xf32, #tpu.memory_space<hbm>> -> memref<1x8x1024xf32, #tpu.memory_space<hbm>>
    %dma_start3A_145 = tpu.memref_squeeze %dma_start3A_144 : memref<1x8x1024xf32, #tpu.memory_space<hbm>> -> memref<8x1024xf32, #tpu.memory_space<hbm>>
    tpu.enqueue_dma source(%arg9 : memref<8x1024xf32, #tpu.memory_space<vmem>>) target(%dma_start3A_145 : memref<8x1024xf32, #tpu.memory_space<hbm>>) target_semaphore(%arg24 : memref<!tpu.dma_semaphore, #tpu.memory_space<semaphore_mem>>)
    %dma_wait3A_146 = arith.constant 0 : i32
    %dma_wait3A_147 = arith.constant 0 : i32
    %dma_wait3A_148 = tpu.memref_slice %arg4[%dma_wait3A_146, %add3A_72, %dma_wait3A_147] : memref<4x256x1024xf32, #tpu.memory_space<hbm>> -> memref<1x8x1024xf32, #tpu.memory_space<hbm>>
    %dma_wait3A_149 = tpu.memref_squeeze %dma_wait3A_148 : memref<1x8x1024xf32, #tpu.memory_space<hbm>> -> memref<8x1024xf32, #tpu.memory_space<hbm>>
    %dma_wait3A_150 = arith.constant 0 : i32
    %dma_wait3A_151 = tpu.memref_slice %arg4[%dma_wait3A_146, %add3A_72, %dma_wait3A_150] : memref<4x256x1024xf32, #tpu.memory_space<hbm>> -> memref<1x8x1024xf32, #tpu.memory_space<hbm>>
    %dma_wait3A_152 = tpu.memref_squeeze %dma_wait3A_151 : memref<1x8x1024xf32, #tpu.memory_space<hbm>> -> memref<8x1024xf32, #tpu.memory_space<hbm>>
    tpu.wait_dma2 semaphore(%arg21 : memref<!tpu.dma_semaphore, #tpu.memory_space<semaphore_mem>>) src(%arg6 : memref<8x1024xf32, #tpu.memory_space<vmem>>) dst(%dma_wait3A_152 : memref<8x1024xf32, #tpu.memory_space<hbm>>)
    %dma_wait3A_153 = arith.constant 1 : i32
    %dma_wait3A_154 = arith.constant 0 : i32
    %dma_wait3A_155 = tpu.memref_slice %arg4[%dma_wait3A_153, %add3A_94, %dma_wait3A_154] : memref<4x256x1024xf32, #tpu.memory_space<hbm>> -> memref<1x8x1024xf32, #tpu.memory_space<hbm>>
    %dma_wait3A_156 = tpu.memref_squeeze %dma_wait3A_155 : memref<1x8x1024xf32, #tpu.memory_space<hbm>> -> memref<8x1024xf32, #tpu.memory_space<hbm>>
    %dma_wait3A_157 = arith.constant 0 : i32
    %dma_wait3A_158 = tpu.memref_slice %arg4[%dma_wait3A_153, %add3A_94, %dma_wait3A_157] : memref<4x256x1024xf32, #tpu.memory_space<hbm>> -> memref<1x8x1024xf32, #tpu.memory_space<hbm>>
    %dma_wait3A_159 = tpu.memref_squeeze %dma_wait3A_158 : memref<1x8x1024xf32, #tpu.memory_space<hbm>> -> memref<8x1024xf32, #tpu.memory_space<hbm>>
    tpu.wait_dma2 semaphore(%arg22 : memref<!tpu.dma_semaphore, #tpu.memory_space<semaphore_mem>>) src(%arg7 : memref<8x1024xf32, #tpu.memory_space<vmem>>) dst(%dma_wait3A_159 : memref<8x1024xf32, #tpu.memory_space<hbm>>)
    %dma_wait3A_160 = arith.constant 2 : i32
    %dma_wait3A_161 = arith.constant 0 : i32
    %dma_wait3A_162 = tpu.memref_slice %arg4[%dma_wait3A_160, %add3A_116, %dma_wait3A_161] : memref<4x256x1024xf32, #tpu.memory_space<hbm>> -> memref<1x8x1024xf32, #tpu.memory_space<hbm>>
    %dma_wait3A_163 = tpu.memref_squeeze %dma_wait3A_162 : memref<1x8x1024xf32, #tpu.memory_space<hbm>> -> memref<8x1024xf32, #tpu.memory_space<hbm>>
    %dma_wait3A_164 = arith.constant 0 : i32
    %dma_wait3A_165 = tpu.memref_slice %arg4[%dma_wait3A_160, %add3A_116, %dma_wait3A_164] : memref<4x256x1024xf32, #tpu.memory_space<hbm>> -> memref<1x8x1024xf32, #tpu.memory_space<hbm>>
    %dma_wait3A_166 = tpu.memref_squeeze %dma_wait3A_165 : memref<1x8x1024xf32, #tpu.memory_space<hbm>> -> memref<8x1024xf32, #tpu.memory_space<hbm>>
    tpu.wait_dma2 semaphore(%arg23 : memref<!tpu.dma_semaphore, #tpu.memory_space<semaphore_mem>>) src(%arg8 : memref<8x1024xf32, #tpu.memory_space<vmem>>) dst(%dma_wait3A_166 : memref<8x1024xf32, #tpu.memory_space<hbm>>)
    %dma_wait3A_167 = arith.constant 3 : i32
    %dma_wait3A_168 = arith.constant 0 : i32
    %dma_wait3A_169 = tpu.memref_slice %arg4[%dma_wait3A_167, %add3A_138, %dma_wait3A_168] : memref<4x256x1024xf32, #tpu.memory_space<hbm>> -> memref<1x8x1024xf32, #tpu.memory_space<hbm>>
    %dma_wait3A_170 = tpu.memref_squeeze %dma_wait3A_169 : memref<1x8x1024xf32, #tpu.memory_space<hbm>> -> memref<8x1024xf32, #tpu.memory_space<hbm>>
    %dma_wait3A_171 = arith.constant 0 : i32
    %dma_wait3A_172 = tpu.memref_slice %arg4[%dma_wait3A_167, %add3A_138, %dma_wait3A_171] : memref<4x256x1024xf32, #tpu.memory_space<hbm>> -> memref<1x8x1024xf32, #tpu.memory_space<hbm>>
    %dma_wait3A_173 = tpu.memref_squeeze %dma_wait3A_172 : memref<1x8x1024xf32, #tpu.memory_space<hbm>> -> memref<8x1024xf32, #tpu.memory_space<hbm>>
    tpu.wait_dma2 semaphore(%arg24 : memref<!tpu.dma_semaphore, #tpu.memory_space<semaphore_mem>>) src(%arg9 : memref<8x1024xf32, #tpu.memory_space<vmem>>) dst(%dma_wait3A_173 : memref<8x1024xf32, #tpu.memory_space<hbm>>)
    return
  }
}

module attributes {stable_mosaic.version = 14 : i64} {
  func.func @_tc_add_body(%arg0: i32, %arg1: memref<4x256x1024xf32, #tpu.memory_space<vmem>>, %arg2: memref<256x1024xf32, #tpu.memory_space<vmem>>, %arg3: memref<4x256x1024xf32, #tpu.memory_space<vmem>>) attributes {dimension_semantics = [#tpu.dimension_semantics<arbitrary>], iteration_bounds = array<i64: 7>, scalar_prefetch = 0 : i64, scratch_operands = 0 : i64, tpu.core_type = #tpu.core_type<tc>, window_params = [{transform_indices = @transform_0, window_bounds = array<i64: 4, 256, 1024>}, {transform_indices = @transform_1, window_bounds = array<i64: 256, 1024>}, {transform_indices = @transform_2, window_bounds = array<i64: 4, 256, 1024>}]} {
    %get3A = arith.constant 0 : index
    %get3A_0 = arith.constant 0 : index
    %get3A_1 = arith.constant 0 : index
    %get3A_2 = vector.load %arg1[%get3A, %get3A_0, %get3A_1] : memref<4x256x1024xf32, #tpu.memory_space<vmem>>, vector<4x256x1024xf32>
    %get3A_3 = arith.constant 0 : index
    %get3A_4 = arith.constant 0 : index
    %get3A_5 = vector.load %arg2[%get3A_3, %get3A_4] : memref<256x1024xf32, #tpu.memory_space<vmem>>, vector<256x1024xf32>
    %broadcast_in_dim3A = vector.shape_cast %get3A_5 : vector<256x1024xf32> to vector<1x256x1024xf32>
    %add3A = vector.broadcast %broadcast_in_dim3A : vector<1x256x1024xf32> to vector<4x256x1024xf32>
    %add3A_6 = arith.addf %get3A_2, %add3A : vector<4x256x1024xf32>
    %swap3A = arith.constant 0 : index
    %swap3A_7 = arith.constant 0 : index
    %swap3A_8 = arith.constant 0 : index
    %swap3A_9 = vector.load %arg3[%swap3A, %swap3A_7, %swap3A_8] : memref<4x256x1024xf32, #tpu.memory_space<vmem>>, vector<4x256x1024xf32>
    tpu.vector_store %arg3[%swap3A, %swap3A_7, %swap3A_8], %add3A_6 {strides = array<i32>} : memref<4x256x1024xf32, #tpu.memory_space<vmem>>, vector<4x256x1024xf32>,
    return
  }
  func.func @transform_0(%arg0: i32) -> (i32, i32, i32) {
    %add3A = arith.constant 1 : i32
    %add3A_0 = arith.addi %arg0, %add3A : i32
    %c0_i32 = arith.constant 0 : i32
    %c0_i32_1 = arith.constant 0 : i32
    %c0_i32_2 = arith.constant 0 : i32
    return %c0_i32, %add3A_0, %c0_i32_1 : i32, i32, i32
  }
  func.func @transform_1(%arg0: i32) -> (i32, i32) {
    %add3A = arith.constant 1 : i32
    %add3A_0 = arith.addi %arg0, %add3A : i32
    %c0_i32 = arith.constant 0 : i32
    %c0_i32_1 = arith.constant 0 : i32
    return %add3A_0, %c0_i32 : i32, i32
  }
  func.func @transform_2(%arg0: i32) -> (i32, i32, i32) {
    %add3A = arith.constant 1 : i32
    %add3A_0 = arith.addi %arg0, %add3A : i32
    %c0_i32 = arith.constant 0 : i32
    %c0_i32_1 = arith.constant 0 : i32
    %c0_i32_2 = arith.constant 0 : i32
    return %c0_i32, %add3A_0, %c0_i32_1 : i32, i32, i32
  }
}

module attributes {stable_mosaic.version = 14 : i64} {
  func.func @_merge_body(%arg0: i32, %arg1: memref<4x256x1024xf32, #tpu.memory_space<vmem>>, %arg2: memref<4x2048x1024xf32, #tpu.memory_space<hbm>>, %arg3: memref<4x256x1024xf32, #tpu.memory_space<vmem>>) attributes {dimension_semantics = [#tpu.dimension_semantics<arbitrary>], iteration_bounds = array<i64: 1>, scalar_prefetch = 0 : i64, scratch_operands = 0 : i64, tpu.core_type = #tpu.core_type<tc>, window_params = [{transform_indices = @transform_0, window_bounds = array<i64: 4, 256, 1024>}, {}, {transform_indices = @transform_2, window_bounds = array<i64: 4, 256, 1024>}]} {
    %get3A = arith.constant 0 : index
    %get3A_0 = arith.constant 0 : index
    %get3A_1 = arith.constant 0 : index
    %get3A_2 = vector.load %arg1[%get3A, %get3A_0, %get3A_1] : memref<4x256x1024xf32, #tpu.memory_space<vmem>>, vector<4x256x1024xf32>
    %swap3A = arith.constant 0 : index
    %swap3A_3 = arith.constant 0 : index
    %swap3A_4 = arith.constant 0 : index
    %swap3A_5 = vector.load %arg3[%swap3A, %swap3A_3, %swap3A_4] : memref<4x256x1024xf32, #tpu.memory_space<vmem>>, vector<4x256x1024xf32>
    tpu.vector_store %arg3[%swap3A, %swap3A_3, %swap3A_4], %get3A_2 {strides = array<i32>} : memref<4x256x1024xf32, #tpu.memory_space<vmem>>, vector<4x256x1024xf32>,
    return
  }
  func.func @transform_0(%arg0: i32) -> (i32, i32, i32) {
    %c0_i32 = arith.constant 0 : i32
    %c0_i32_0 = arith.constant 0 : i32
    %c0_i32_1 = arith.constant 0 : i32
    return %c0_i32, %arg0, %c0_i32_0 : i32, i32, i32
  }
  func.func @transform_2(%arg0: i32) -> (i32, i32, i32) {
    %c0_i32 = arith.constant 0 : i32
    %c0_i32_0 = arith.constant 0 : i32
    %c0_i32_1 = arith.constant 0 : i32
    return %c0_i32, %arg0, %c0_i32_0 : i32, i32, i32
  }
}

</mosaic_0001>

<sc_bundles>
// kernel: kernel.5.cloned.1.call-start
scs
__scs_entry_jumppad:
0x0: {  	(pc) =	sbr.rel $0x88, $3  }
0x1: {  	(tag) =	ssettag $0x0;
	lr =	simm.s32 $0x1  }
0x2: {  	[smem:$0x3F9F] =	sst lr;
	_ =	strace $0xD0000000  }
0x3: {  	_ = 	snop  }
0x4: {  	_ = 	snop  }
0x5: {  	_ = 	snop  }
0x6: {  	_ = 	snop  }
0x7: {  	_ = 	snop  }
__scs_overlays_trampoline_lowered:
0x8: {  	[smem:$0x3FAE] =	sst s0  }
0x9: {  	[smem:$0x3FAF] =	sst s1  }
0xa: {  	[smem:$0x3FB0] =	sst s2  }
0xb: {  	[smem:$0x3FB1] =	sst s3  }
0xc: {  	[smem:$0x3FB2] =	sst s4  }
0xd: {  	[smem:$0x3FB3] =	sst s5  }
0xe: {  	[smem:$0x3FB4] =	sst s6  }
0xf: {  	[smem:$0x3FB5] =	sst s7  }
0x10: {  	[smem:$0x3FB6] =	sst s8  }
0x11: {  	[smem:$0x3FB7] =	sst s9;
	s0 =	simm.s32 @!p0 $0x0  }
0x12: {  	s1 =	sld [smem:$0x3F9D];
	s0 =	simm.s32 @p0 $0x1  }
0x13: {  	[smem:$0x3FB8] =	sst s0;
	s0 =	simm.s32 @!p1 $0x0  }
0x14: {  	s2 =	sld [smem:$0x3F9C];
	s0 =	simm.s32 @p1 $0x1  }
0x15: {  	[smem:$0x3FB9] =	sst s0;
	s0 =	simm.s32 @!p2 $0x0  }
0x16: {  	s3 =	sld [smem:$0x3FDB];
	s0 =	simm.s32 @p2 $0x1  }
0x17: {  	s4 =	simm.s32 $0x1BF5;
	[smem:$0x3FBB] =	sst s0  }
0x18: {  	s0 =	sld [smem:$0x3F9E];
	_ =	swait.ge [sflag:s4], $0x0  }
0x19: {  	s7 =	sld [smem:$0x3F9F]  }
0x1a: {  	s8 =	sadd.s32 $0xFFFFE003, lr  }
0x1b: {  	s9 =	sadd.s32 $0xFFFFFEF7, lr;
	s5 =	simm.s32 $0xFFFFFFFF;
	p2 =	slt.u32 s8, $0xFFFFF086  }
0x1c: {  	p1 =	slt.u32 s9, $0xF7A;
	s5 =	simm.s32 @!p2 $0x0  }
0x1d: {  	s5 =	simm.s32 @p1 $0x1;
	p0 =	seq.s32 s7, s2  }
0x1e: {  	s7 =	smul.u32 @!p0 $0xF7A, s2;
	p2 =	seq.s32 @!p0 s5, $0x0  }
0x1f: {  	s9 =	smul.u32 $0xF7A, s1;
	s8 =	simm.s32 @!p0 $0x1BF5;
	p2 =	por !p2, p0  }
0x20: {  	[sflag:s8] =	ssyncset.s32 @!p0 $0xFFFFF086;
	s6 =	sadd.s32 @!p0 s3, s7;
	s7 =	simm.s32 @!p0 $0x108  }
0x21: {  	s3 =	sadd.s32 s3, s9;
	s6 =	sadd.s32 @!p0 $0x88, s6;
	s7 =	simm.s32 @p2 $0x1082  }
0x22: {  	[simem:s7], [sflag:s8] =	dma.local @!p0 [hbm:s6], $0xF7A  }
0x23: {  	s9 =	sor.u32 $0xD0000000, s2;
	s6 =	simm.s32 $0x108;
	_ =	swait.ge @!p0 [sflag:s8], $0x0  }
0x24: {  	s3 =	sadd.s32 $0x88, s3;
	s6 =	simm.s32 @!p1 $0x1082;
	[sflag:s4] =	ssyncset.s32 $0xFFFFF086  }
0x25: {  	[simem:s6], [sflag:s4] =	dma.local [hbm:s3], $0xF7A  }
0x26: {  	[smem:$0x3F9F] =	sst s1;
	(tag) =	ssettag s2;
	_ =	strace s9  }
0x27: {  	s1 =	sld [smem:$0x3FAF]  }
0x28: {  	s2 =	sld [smem:$0x3FB0]  }
0x29: {  	s4 =	sld [smem:$0x3FB2]  }
0x2a: {  	p0 =	seq.s32 s5, $0x0;
	s5 =	sld [smem:$0x3FB3]  }
0x2b: {  	s6 =	sld [smem:$0x3FB4]  }
0x2c: {  	s7 =	sld [smem:$0x3FB5]  }
0x2d: {  	s3 =	simm.s32 $0x108;
	s8 =	sld [smem:$0x3FB6]  }
0x2e: {  	s3 =	simm.s32 @!p0 $0x1082;
	s9 =	sld [smem:$0x3FB7]  }
0x2f: {  	lr =	sadd.s32 s0, s3;
	s0 =	sld [smem:$0x3FAE]  }
0x30: {  	s3 =	sld [smem:$0x3FB1]  }
0x31: {  	[smem:$0x3FBA] =	sst s10  }
0x32: {  	s10 =	sld [smem:$0x3FB8];
	_ =	sdelay $0x3  }
0x33: {  	p0 =	seq.s32 s10, $0x1;
	s10 =	sld [smem:$0x3FBA];
	_ =	sdelay $0x3  }
0x34: {  	[smem:$0x3FBA] =	sst s10  }
0x35: {  	s10 =	sld [smem:$0x3FB9];
	_ =	sdelay $0x3  }
0x36: {  	p1 =	seq.s32 s10, $0x1;
	s10 =	sld [smem:$0x3FBA];
	_ =	sdelay $0x3  }
0x37: {  	[smem:$0x3FBA] =	sst s10  }
0x38: {  	s10 =	sld [smem:$0x3FBB]  }
0x39: {  	_ = 	snop;
	(pc) =	sbr.ind lr, $3  }
0x3a: {  	_ = 	snop  }
0x3b: {  	_ = 	snop  }
0x3c: {  	p2 =	seq.s32 s10, $0x1;
	s10 =	sld [smem:$0x3FBA]  }
0x3d: {  	_ =	shalt  }
0x3e: {  	_ =	shalt  }
0x3f: {  	_ =	shalt  }
0x40: {  	_ =	shalt  }
0x41: {  	_ =	shalt  }
0x42: {  	_ =	shalt  }
0x43: {  	_ =	shalt  }
0x44: {  	_ =	shalt  }
0x45: {  	_ =	shalt  }
0x46: {  	_ =	shalt  }
0x47: {  	_ =	shalt  }
0x48: {  	_ =	shalt  }
0x49: {  	_ =	shalt  }
0x4a: {  	_ =	shalt  }
0x4b: {  	_ =	shalt  }
0x4c: {  	_ =	shalt  }
0x4d: {  	_ =	shalt  }
0x4e: {  	_ =	shalt  }
0x4f: {  	_ =	shalt  }
0x50: {  	_ =	shalt  }
0x51: {  	_ =	shalt  }
0x52: {  	_ =	shalt  }
0x53: {  	_ =	shalt  }
0x54: {  	_ =	shalt  }
0x55: {  	_ =	shalt  }
0x56: {  	_ =	shalt  }
0x57: {  	_ =	shalt  }
0x58: {  	_ =	shalt  }
0x59: {  	_ =	shalt  }
0x5a: {  	_ =	shalt  }
0x5b: {  	_ =	shalt  }
0x5c: {  	_ =	shalt  }
0x5d: {  	_ =	shalt  }
0x5e: {  	_ =	shalt  }
0x5f: {  	_ =	shalt  }
0x60: {  	_ =	shalt  }
0x61: {  	_ =	shalt  }
0x62: {  	_ =	shalt  }
0x63: {  	_ =	shalt  }
0x64: {  	_ =	shalt  }
0x65: {  	_ =	shalt  }
0x66: {  	_ =	shalt  }
0x67: {  	_ =	shalt  }
0x68: {  	_ =	shalt  }
0x69: {  	_ =	shalt  }
0x6a: {  	_ =	shalt  }
0x6b: {  	_ =	shalt  }
0x6c: {  	_ =	shalt  }
0x6d: {  	_ =	shalt  }
0x6e: {  	_ =	shalt  }
0x6f: {  	_ =	shalt  }
0x70: {  	_ =	shalt  }
0x71: {  	_ =	shalt  }
0x72: {  	_ =	shalt  }
0x73: {  	_ =	shalt  }
0x74: {  	_ =	shalt  }
0x75: {  	_ =	shalt  }
0x76: {  	_ =	shalt  }
0x77: {  	_ =	shalt  }
0x78: {  	_ =	shalt  }
0x79: {  	_ =	shalt  }
0x7a: {  	_ =	shalt  }
0x7b: {  	_ =	shalt  }
0x7c: {  	_ =	shalt  }
0x7d: {  	_ =	shalt  }
0x7e: {  	_ =	shalt  }
0x7f: {  	_ =	shalt  }
0x80: {  	_ =	shalt  }
0x81: {  	_ =	shalt  }
0x82: {  	_ =	shalt  }
0x83: {  	_ =	shalt  }
0x84: {  	_ =	shalt  }
0x85: {  	_ =	shalt  }
0x86: {  	_ =	shalt  }
0x87: {  	_ =	shalt  }
.Lfunc_end0:
.L_simem_size_0:
called_computation_lowered:
.L_overlay_start_0:
0x88: {  	s2 =	sld [smem:$0x3FD9]  }
0x89: {  	s3 =	sld [smem:$0x3FFE];
	_ =	sdelay $0x1  }
0x8a: {  	s1 =	srdreg.scid  }
0x8b: {  	s0 =	sand.u32 $0x1, s1  }
0x8c: {  	s17 =	sshll.u32 s0, $0xA;
	s2 =	sadd.s32 s3, s2  }
0x8d: {  	s2 =	sadd.s32 s2, s17  }
0x8e: {  	[smem:$0x3FC6] =	sst s2  }
0x8f: {  	_ = 	snop  }
0x90: {  	s2 =	sld [smem:$0x3FC9]  }
0x91: {  	s18 =	sld [smem:$0x3FC8];
	(tm) =	ssettm $0x1  }
0x92: {  	s4 =	sld [smem:$0x3FFB];
	_ =	sdelay $0x3  }
0x93: {  	_ =	strace s4  }
0x94: {  	s4 =	sld [smem:$0x3FFC];
	_ =	sdelay $0x3  }
0x95: {  	_ =	strace s4  }
0x96: {  	s4 =	sld [smem:$0x3FFD];
	_ =	sdelay $0x3  }
0x97: {  	_ =	strace s4  }
0x98: {  	_ =	strace $0x8FFFFFFF  }
0x99: {  	s19 =	sld [smem:$0x3FDB];
	_ =	sdelay $0x1  }
0x9a: {  	s5 =	simm.s32 $_scs_section_size  }
0x9b: {  	s6 =	simm.s32 $_size__tile_overlayer_lowered;
	s7 =	simm.s32 $_tile_overlayer_lowered  }
0x9c: {  	s22 =	simm.s32 $0x1BFF;
	s21 =	sshll.u32 s7, $0x1;
	s4 =	sadd.s32 s5, s19  }
0x9d: {  	s8 =	simm.s32 $0x0;
	s20 =	sshll.u32 s6, $0x1;
	s6 =	sadd.s32 s21, s4  }
0x9e: {  	[timem:s8], [sflag:s22] =	dma.local [hbm:s6], s20  }
0x9f: {  	_ =	swait.ge [sflag:s22], s20  }
0xa0: {  	s5 =	ssub.s32 $0x0, s20;
	[sflag:s22] =	ssyncset.done $0x0  }
0xa1: {  	[sflag:s22] =	ssyncadd.s32 s5;
	_ =	sdelay $0x1  }
0xa2: {  	s23 =	simm.s32 $0x1B8B  }
0xa3: {  	_ =	swait.ge [sflag:s23], $0x1  }
0xa4: {  	[sflag:s23] =	ssyncset.done $0x0  }
0xa5: {  	s25 =	simm.s32 $0x1B8E;
	s24 =	sld [smem:$0x3FFE];
	[sflag:s23] =	ssyncadd.s32 $0xFFFFFFFF  }
0xa6: {  	s26 =	simm.s32 $execute0_lowered;
	[smem:$0x3FD2] =	sst s25  }
0xa7: {  	s6 =	sshll.u32 s26, $0x1;
	_ =	strace $0x80000046;
	[dreg:$0x1] =	wrdreg $0xFFFFFFFF  }
0xa8: {  	s28 =	simm.s32 $_size_execute0_lowered;
	s4 =	sadd.s32 s4, s6;
	[dreg:$0x0] =	wrdreg $0x0  }
0xa9: {  	s6 =	sshll.u32 s28, $0x1;
	[dreg:$0x2] =	wrdreg s4  }
0xaa: {  	[dreg:$0x3] =	wrdreg s6  }
0xab: {  	[dreg:$0x4] =	wrdreg $0xC0  }
0xac: {  	_ =	task [dreg:s8], $0x5FFFF  }
0xad: {  	[dreg:$0x1] =	wrdreg $0xFFFFFFFF  }
0xae: {  	[dreg:$0x0] =	wrdreg $0x60  }
0xaf: {  	[dreg:$0x2] =	wrdreg s2  }
0xb0: {  	[dreg:$0x3] =	wrdreg s18  }
0xb1: {  	[dreg:$0x4] =	wrdreg s24  }
0xb2: {  	[dreg:$0x5] =	wrdreg $0x9  }
0xb3: {  	_ =	task.clear_ibuf [dreg:s8], $0x6FFFF;
	_ =	strace $0x90000046  }
0xb4: {  	s29 =	simm.s32 $0x9;
	_ =	strace $0x80000048  }
0xb5: {  	_ =	swait.ge [sflag:s29], $0x1  }
0xb6: {  	[sflag:s29] =	ssyncadd.s32 $0xFFFFFFFF  }
0xb7: {  	_ =	strace $0x90000048  }
0xb8: {  	_ =	sfence  }
0xb9: {  	s30 =	sld [smem:$0x0];
	_ =	sdelay $0x2  }
0xba: {  	s31 =	sshll.u32 s1, $0xD;
	s1 =	sshrl.u32 s1, $0x2  }
0xbb: {  	s3 =	sand.u32 $0x4000, s31;
	s1 =	sadd.s32 s1, s30  }
0xbc: {  	s0 =	sor.u32 s3, s0;
	s1 =	sshll.u32 s1, $0x11  }
0xbd: {  	s0 =	sor.u32 s1, s0  }
0xbe: {  	s0 =	sadd.s32 $0x8F2B, s0  }
0xbf: {  	[sflag:s0] =	ssyncadd.remote.s32 $0x1  }
0xc0: {  	_ =	sfence.sel $0xFFFF  }
0xc1: {  	[dreg:$0x0] =	wrdreg $0xFFFFFFFF;
	(pc) =	sbr.abs _section_cstart, $3  }
0xc2: {  	[dreg:$0x1] =	wrdreg $0xFFFFFFFF  }
0xc3: {  	_ =	task.clear_ibuf [dreg:s8], $0x2FFFF;
	_ =	strace $0x9FFFFFFF  }
0xc4: {  	(tm) =	ssettm $0x7FFFFFFF  }
0xc5: {  	_ =	shalt  }
tec
execute0_lowered:
.L_overlay_start_1:
0x0: {  	(tag) =	ssettag $0x1  }
0x1: {  	s0 =	rddreg [dreg:$0x0]  }
0x2: {  	s1 =	rddreg [dreg:$0x1]  }
0x3: {  	s3 =	rddreg [dreg:$0x2];
	s4 =	srdreg.scid;
	s2 =	simm.s32 $0x0  }
0x4: {  	s5 =	stileid.u32;
	s13 =	simm.s32 $0x2000;
	s14 =	simm.s32 $0x4000  }
0x5: {  	s15 =	simm.s32 $0x6000;
	s16 =	simm.s32 $0x8000;
	s17 =	simm.s32 $0x1  }
0x6: {  	s18 =	simm.s32 $0x2;
	s19 =	simm.s32 $0x3;
	s20 =	simm.s32 $0x4  }
0x7: {  	s21 =	simm.s32 $0x5;
	s22 =	simm.s32 $0x6;
	s23 =	simm.s32 $0x7  }
0x8: {  	s24 =	simm.s32 $0x8;
	s25 =	simm.s32 $0x9;
	s4 =	sand.u32 $0x1, s4  }
0x9: {  	s26 =	simm.s32 $0x0;
	s5 =	sshll.u32 s5, $0xB;
	s6 =	sshll.u32 s4, $0xA  }
0xa: {  	[smem:$0x7FF] =	sst s2;
	s4 =	ssub.s32 $0x2, s4;
	s5 =	sor.u32 s6, s5  }
0xb: {  	_ =	strace $0x80000047;
	s30 =	sshrl.u32 s4, $0x1;
	s11 =	sadd.s32 s5, s3  }
0xc: {  	s3 =	sadd.s32 s0, s5;
	s31 =	ssub.s32 s4, s30;
	s1 =	sadd.s32 s1, s5  }
0xd: {  	[dreg:$0x4] =	wrdreg s1;
	s5 =	sadd.s32 $0x40000, s3;
	s6 =	sadd.s32 $0x80000, s3  }
0xe: {  	s7 =	sadd.s32 $0xC0000, s3;
	s8 =	sadd.s32 $0x800, s11;
	s9 =	sadd.s32 $0x8800, s11  }
0xf: {  	s10 =	sadd.s32 $0x10800, s11;
	s11 =	sadd.s32 $0x18800, s11;
	s12 =	smax.u32 s31, $0x1  }
.LBB2_1:
0x10: {  	s0 =	rddreg [dreg:$0x4]  }
0x11: {  	[tilespmem:s2], [sflag:$0x1] =	stream.linear.gather [hbm4b:s0+s2], $0x2000, $0x38;
	[tilespmem:$0xA000] =	vst v63  }
0x12: {  	_ = 	snop  }
0x13: {  	[tilespmem:s13], [sflag:$0x2] =	stream.linear.gather [hbm4b:s3+s2], $0x2000, $0x38;
	[tilespmem:$0xA000] =	vst v63  }
0x14: {  	_ = 	snop  }
0x15: {  	[tilespmem:s14], [sflag:$0x3] =	stream.linear.gather [hbm4b:s5+s2], $0x2000, $0x38;
	[tilespmem:$0xA000] =	vst v63  }
0x16: {  	_ = 	snop  }
0x17: {  	[tilespmem:s15], [sflag:$0x4] =	stream.linear.gather [hbm4b:s6+s2], $0x2000, $0x38;
	[tilespmem:$0xA000] =	vst v63  }
0x18: {  	_ = 	snop  }
0x19: {  	[tilespmem:s16], [sflag:$0x5] =	stream.linear.gather [hbm4b:s7+s2], $0x2000, $0x38;
	[tilespmem:$0xA000] =	vst v63  }
0x1a: {  	_ =	swait.ge [sflag:s17], $0x2000  }
0x1b: {  	[sflag:s17] =	ssyncset.done $0x0  }
0x1c: {  	[sflag:s17] =	ssyncadd.s32 $0xFFFFE000  }
0x1d: {  	_ =	swait.ge [sflag:s18], $0x2000  }
0x1e: {  	s4 =	simm.s32 $0x40;
	[sflag:s18] =	ssyncset.done $0x0  }
0x1f: {  	s29 =	simm.s32 $0x2040;
	s30 =	simm.s32 $0x0;
	[sflag:s18] =	ssyncadd.s32 $0xFFFFE000  }
.LBB2_2:
0x20: {  	v1 =	vld [tilespmem:s29+$0x30]  }
0x21: {  	v2 =	vld [tilespmem:s4+$0x30]  }
0x22: {  	v0 =	vld [tilespmem:s4+$0xFFFFFFC0]  }
0x23: {  	v3 =	vld [tilespmem:s29+$0xFFFFFFD0]  }
0x24: {  	v4 =	vld [tilespmem:s4+$0xFFFFFFD0]  }
0x25: {  	v5 =	vld [tilespmem:s29+$0xFFFFFFE0]  }
0x26: {  	v6 =	vld [tilespmem:s4+$0xFFFFFFE0]  }
0x27: {  	v7 =	vld [tilespmem:s29+$0xFFFFFFF0]  }
0x28: {  	v8 =	vld [tilespmem:s4+$0xFFFFFFF0]  }
0x29: {  	v9 =	vld [tilespmem:s29+$0x0]  }
0x2a: {  	v10 =	vld [tilespmem:s4+$0x0];
	v2 =	vadd.f32 v2, v1  }
0x2b: {  	v4 =	vadd.f32 v4, v3;
	v1 =	vld [tilespmem:s29+$0x10]  }
0x2c: {  	v5 =	vadd.f32 v6, v5;
	v3 =	vld [tilespmem:s4+$0x10];
	[tilespmem:s29+$0x30] =	vst v2  }
0x2d: {  	v6 =	vadd.f32 v8, v7;
	[tilespmem:s29+$0xFFFFFFD0] =	vst v4;
	v2 =	vld [tilespmem:s29+$0x20]  }
0x2e: {  	s0 =	simm.s32 $0x0;
	[tilespmem:s29+$0xFFFFFFE0] =	vst v5;
	v5 =	vld [tilespmem:s4+$0x20]  }
0x2f: {  	s1 =	sadd.s32 $0x400, s29;
	s28 =	smov.u32 s4;
	s31 =	smov.u32 s29;
	v4 =	vld [tilespmem:s29+$0xFFFFFFC0];
	[tilespmem:s29+$0xFFFFFFF0] =	vst v6;
	v6 =	vadd.f32 v10, v9  }
.LBB2_3:
0x30: {  	v7 =	vld [tilespmem:s1+$0x30];
	s28 =	sadd.s32 $0x400, s28  }
0x31: {  	s0 =	sadd.s32 $0x80, s0;
	v8 =	vld [tilespmem:s28+$0x30];
	[tilespmem:s31+$0x0] =	vst v6;
	v1 =	vadd.f32 v3, v1  }
0x32: {  	p0 =	slt.u32 s0, $0x380;
	v3 =	vld [tilespmem:s28+$0xFFFFFFC0]  }
0x33: {  	v6 =	vld [tilespmem:s1+$0xFFFFFFD0];
	[tilespmem:s31+$0x10] =	vst v1;
	v1 =	vadd.f32 v5, v2  }
0x34: {  	v2 =	vld [tilespmem:s28+$0xFFFFFFD0];
	v9 =	vadd.f32 v0, v4  }
0x35: {  	v4 =	vld [tilespmem:s1+$0xFFFFFFE0];
	[tilespmem:s31+$0x20] =	vst v1  }
0x36: {  	v1 =	vld [tilespmem:s28+$0xFFFFFFE0];
	v5 =	vadd.f32 v8, v7;
	[tilespmem:s31+$0xFFFFFFC0] =	vst v9;
	s31 =	smov.u32 s1  }
0x37: {  	v7 =	vld [tilespmem:s1+$0xFFFFFFF0];
	v0 =	vmov v3  }
0x38: {  	v8 =	vld [tilespmem:s28+$0xFFFFFFF0];
	[tilespmem:s1+$0x30] =	vst v5  }
0x39: {  	v2 =	vadd.f32 v2, v6;
	v6 =	vld [tilespmem:s1+$0x0]  }
0x3a: {  	v9 =	vld [tilespmem:s28+$0x0]  }
.Ltmp0:
0x3b: {  	[tilespmem:s1+$0xFFFFFFD0] =	vst v2;
	v2 =	vadd.f32 v1, v4;
	v1 =	vld [tilespmem:s1+$0x10];
	(pc) =	sbr.rel @p0 .LBB2_3-.Ltmp0, $4  }
0x3c: {  	v3 =	vld [tilespmem:s28+$0x10]  }
0x3d: {  	[tilespmem:s1+$0xFFFFFFE0] =	vst v2;
	v7 =	vadd.f32 v8, v7;
	v2 =	vld [tilespmem:s1+$0x20]  }
0x3e: {  	v5 =	vld [tilespmem:s28+$0x20]  }
0x3f: {  	s1 =	sadd.s32 $0x400, s1;
	v4 =	vld [tilespmem:s31+$0xFFFFFFC0];
	[tilespmem:s31+$0xFFFFFFF0] =	vst v7;
	v6 =	vadd.f32 v9, v6  }
0x40: {  	s30 =	sadd.s32 $0x1, s30  }
0x41: {  	p0 =	sne.s32 s30, $0x8  }
.Ltmp1:
0x42: {  	v1 =	vadd.f32 v3, v1;
	(pc) =	sbr.rel @p0 .LBB2_2-.Ltmp1, $4  }
0x43: {  	[tilespmem:s31+$0x0] =	vst v6;
	v2 =	vadd.f32 v5, v2  }
0x44: {  	[tilespmem:s31+$0x10] =	vst v1;
	v0 =	vadd.f32 v0, v4  }
0x45: {  	[tilespmem:s31+$0x20] =	vst v2  }
0x46: {  	s4 =	sadd.s32 $0x80, s4;
	s29 =	sadd.s32 $0x80, s29;
	[tilespmem:s31+$0xFFFFFFC0] =	vst v0  }
0x47: {  	s28 =	simm.s32 $0x0  }
0x48: {  	[hbm4b:s8+s28] =	stream.linear.scatter [tilespmem:s13], [sflag:$0x6], $0x2000, $0x38;
	[tilespmem:$0xA000] =	vst v63  }
0x49: {  	_ =	swait.ge [sflag:s19], $0x2000  }
0x4a: {  	[sflag:s19] =	ssyncset.done $0x0  }
0x4b: {  	s29 =	simm.s32 $0x40;
	s30 =	simm.s32 $0x4040;
	[sflag:s19] =	ssyncadd.s32 $0xFFFFE000  }
.LBB2_6:
0x4c: {  	v1 =	vld [tilespmem:s30+$0x30]  }
0x4d: {  	v2 =	vld [tilespmem:s29+$0x30]  }
0x4e: {  	v0 =	vld [tilespmem:s29+$0xFFFFFFC0]  }
0x4f: {  	v3 =	vld [tilespmem:s30+$0xFFFFFFD0]  }
0x50: {  	v4 =	vld [tilespmem:s29+$0xFFFFFFD0]  }
0x51: {  	v5 =	vld [tilespmem:s30+$0xFFFFFFE0]  }
0x52: {  	v6 =	vld [tilespmem:s29+$0xFFFFFFE0]  }
0x53: {  	v7 =	vld [tilespmem:s30+$0xFFFFFFF0]  }
0x54: {  	v8 =	vld [tilespmem:s29+$0xFFFFFFF0]  }
0x55: {  	v9 =	vld [tilespmem:s30+$0x0]  }
0x56: {  	v10 =	vld [tilespmem:s29+$0x0];
	v2 =	vadd.f32 v2, v1  }
0x57: {  	v4 =	vadd.f32 v4, v3;
	v1 =	vld [tilespmem:s30+$0x10]  }
0x58: {  	v5 =	vadd.f32 v6, v5;
	v3 =	vld [tilespmem:s29+$0x10];
	[tilespmem:s30+$0x30] =	vst v2  }
0x59: {  	v6 =	vadd.f32 v8, v7;
	[tilespmem:s30+$0xFFFFFFD0] =	vst v4;
	v2 =	vld [tilespmem:s30+$0x20]  }
0x5a: {  	s0 =	simm.s32 $0x0;
	[tilespmem:s30+$0xFFFFFFE0] =	vst v5;
	v5 =	vld [tilespmem:s29+$0x20]  }
0x5b: {  	s1 =	sadd.s32 $0x400, s30;
	s4 =	smov.u32 s29;
	s31 =	smov.u32 s30;
	v4 =	vld [tilespmem:s30+$0xFFFFFFC0];
	[tilespmem:s30+$0xFFFFFFF0] =	vst v6;
	v6 =	vadd.f32 v10, v9  }
.LBB2_7:
0x5c: {  	v7 =	vld [tilespmem:s1+$0x30];
	s4 =	sadd.s32 $0x400, s4  }
0x5d: {  	s0 =	sadd.s32 $0x80, s0;
	v8 =	vld [tilespmem:s4+$0x30];
	[tilespmem:s31+$0x0] =	vst v6;
	v1 =	vadd.f32 v3, v1  }
0x5e: {  	p0 =	slt.u32 s0, $0x380;
	v3 =	vld [tilespmem:s4+$0xFFFFFFC0]  }
0x5f: {  	v6 =	vld [tilespmem:s1+$0xFFFFFFD0];
	[tilespmem:s31+$0x10] =	vst v1;
	v1 =	vadd.f32 v5, v2  }
0x60: {  	v2 =	vld [tilespmem:s4+$0xFFFFFFD0];
	v9 =	vadd.f32 v0, v4  }
0x61: {  	v4 =	vld [tilespmem:s1+$0xFFFFFFE0];
	[tilespmem:s31+$0x20] =	vst v1  }
0x62: {  	v1 =	vld [tilespmem:s4+$0xFFFFFFE0];
	v5 =	vadd.f32 v8, v7;
	[tilespmem:s31+$0xFFFFFFC0] =	vst v9;
	s31 =	smov.u32 s1  }
0x63: {  	v7 =	vld [tilespmem:s1+$0xFFFFFFF0];
	v0 =	vmov v3  }
0x64: {  	v8 =	vld [tilespmem:s4+$0xFFFFFFF0];
	[tilespmem:s1+$0x30] =	vst v5  }
0x65: {  	v2 =	vadd.f32 v2, v6;
	v6 =	vld [tilespmem:s1+$0x0]  }
0x66: {  	v9 =	vld [tilespmem:s4+$0x0]  }
.Ltmp2:
0x67: {  	[tilespmem:s1+$0xFFFFFFD0] =	vst v2;
	v2 =	vadd.f32 v1, v4;
	v1 =	vld [tilespmem:s1+$0x10];
	(pc) =	sbr.rel @p0 .LBB2_7-.Ltmp2, $4  }
0x68: {  	v3 =	vld [tilespmem:s4+$0x10]  }
0x69: {  	[tilespmem:s1+$0xFFFFFFE0] =	vst v2;
	v7 =	vadd.f32 v8, v7;
	v2 =	vld [tilespmem:s1+$0x20]  }
0x6a: {  	v5 =	vld [tilespmem:s4+$0x20]  }
0x6b: {  	s1 =	sadd.s32 $0x400, s1;
	v4 =	vld [tilespmem:s31+$0xFFFFFFC0];
	[tilespmem:s31+$0xFFFFFFF0] =	vst v7;
	v6 =	vadd.f32 v9, v6  }
0x6c: {  	s28 =	sadd.s32 $0x1, s28  }
0x6d: {  	p0 =	sne.s32 s28, $0x8  }
.Ltmp3:
0x6e: {  	v1 =	vadd.f32 v3, v1;
	(pc) =	sbr.rel @p0 .LBB2_6-.Ltmp3, $4  }
0x6f: {  	[tilespmem:s31+$0x0] =	vst v6;
	v2 =	vadd.f32 v5, v2  }
0x70: {  	[tilespmem:s31+$0x10] =	vst v1;
	v0 =	vadd.f32 v0, v4  }
0x71: {  	[tilespmem:s31+$0x20] =	vst v2  }
0x72: {  	s29 =	sadd.s32 $0x80, s29;
	s30 =	sadd.s32 $0x80, s30;
	[tilespmem:s31+$0xFFFFFFC0] =	vst v0  }
0x73: {  	s28 =	simm.s32 $0x0  }
0x74: {  	[hbm4b:s9+s28] =	stream.linear.scatter [tilespmem:s14], [sflag:$0x7], $0x2000, $0x38;
	[tilespmem:$0xA000] =	vst v63  }
0x75: {  	_ =	swait.ge [sflag:s20], $0x2000  }
0x76: {  	[sflag:s20] =	ssyncset.done $0x0  }
0x77: {  	s29 =	simm.s32 $0x40;
	s30 =	simm.s32 $0x6040;
	[sflag:s20] =	ssyncadd.s32 $0xFFFFE000  }
.LBB2_10:
0x78: {  	v1 =	vld [tilespmem:s30+$0x30]  }
0x79: {  	v2 =	vld [tilespmem:s29+$0x30]  }
0x7a: {  	v0 =	vld [tilespmem:s29+$0xFFFFFFC0]  }
0x7b: {  	v3 =	vld [tilespmem:s30+$0xFFFFFFD0]  }
0x7c: {  	v4 =	vld [tilespmem:s29+$0xFFFFFFD0]  }
0x7d: {  	v5 =	vld [tilespmem:s30+$0xFFFFFFE0]  }
0x7e: {  	v6 =	vld [tilespmem:s29+$0xFFFFFFE0]  }
0x7f: {  	v7 =	vld [tilespmem:s30+$0xFFFFFFF0]  }
0x80: {  	v8 =	vld [tilespmem:s29+$0xFFFFFFF0]  }
0x81: {  	v9 =	vld [tilespmem:s30+$0x0]  }
0x82: {  	v10 =	vld [tilespmem:s29+$0x0];
	v2 =	vadd.f32 v2, v1  }
0x83: {  	v4 =	vadd.f32 v4, v3;
	v1 =	vld [tilespmem:s30+$0x10]  }
0x84: {  	v5 =	vadd.f32 v6, v5;
	v3 =	vld [tilespmem:s29+$0x10];
	[tilespmem:s30+$0x30] =	vst v2  }
0x85: {  	v6 =	vadd.f32 v8, v7;
	[tilespmem:s30+$0xFFFFFFD0] =	vst v4;
	v2 =	vld [tilespmem:s30+$0x20]  }
0x86: {  	s0 =	simm.s32 $0x0;
	[tilespmem:s30+$0xFFFFFFE0] =	vst v5;
	v5 =	vld [tilespmem:s29+$0x20]  }
0x87: {  	s1 =	sadd.s32 $0x400, s30;
	s4 =	smov.u32 s29;
	s31 =	smov.u32 s30;
	v4 =	vld [tilespmem:s30+$0xFFFFFFC0];
	[tilespmem:s30+$0xFFFFFFF0] =	vst v6;
	v6 =	vadd.f32 v10, v9  }
.LBB2_11:
0x88: {  	v7 =	vld [tilespmem:s1+$0x30];
	s4 =	sadd.s32 $0x400, s4  }
0x89: {  	s0 =	sadd.s32 $0x80, s0;
	v8 =	vld [tilespmem:s4+$0x30];
	[tilespmem:s31+$0x0] =	vst v6;
	v1 =	vadd.f32 v3, v1  }
0x8a: {  	p0 =	slt.u32 s0, $0x380;
	v3 =	vld [tilespmem:s4+$0xFFFFFFC0]  }
0x8b: {  	v6 =	vld [tilespmem:s1+$0xFFFFFFD0];
	[tilespmem:s31+$0x10] =	vst v1;
	v1 =	vadd.f32 v5, v2  }
0x8c: {  	v2 =	vld [tilespmem:s4+$0xFFFFFFD0];
	v9 =	vadd.f32 v0, v4  }
0x8d: {  	v4 =	vld [tilespmem:s1+$0xFFFFFFE0];
	[tilespmem:s31+$0x20] =	vst v1  }
0x8e: {  	v1 =	vld [tilespmem:s4+$0xFFFFFFE0];
	v5 =	vadd.f32 v8, v7;
	[tilespmem:s31+$0xFFFFFFC0] =	vst v9;
	s31 =	smov.u32 s1  }
0x8f: {  	v7 =	vld [tilespmem:s1+$0xFFFFFFF0];
	v0 =	vmov v3  }
0x90: {  	v8 =	vld [tilespmem:s4+$0xFFFFFFF0];
	[tilespmem:s1+$0x30] =	vst v5  }
0x91: {  	v2 =	vadd.f32 v2, v6;
	v6 =	vld [tilespmem:s1+$0x0]  }
0x92: {  	v9 =	vld [tilespmem:s4+$0x0]  }
.Ltmp4:
0x93: {  	[tilespmem:s1+$0xFFFFFFD0] =	vst v2;
	v2 =	vadd.f32 v1, v4;
	v1 =	vld [tilespmem:s1+$0x10];
	(pc) =	sbr.rel @p0 .LBB2_11-.Ltmp4, $4  }
0x94: {  	v3 =	vld [tilespmem:s4+$0x10]  }
0x95: {  	[tilespmem:s1+$0xFFFFFFE0] =	vst v2;
	v7 =	vadd.f32 v8, v7;
	v2 =	vld [tilespmem:s1+$0x20]  }
0x96: {  	v5 =	vld [tilespmem:s4+$0x20]  }
0x97: {  	s1 =	sadd.s32 $0x400, s1;
	v4 =	vld [tilespmem:s31+$0xFFFFFFC0];
	[tilespmem:s31+$0xFFFFFFF0] =	vst v7;
	v6 =	vadd.f32 v9, v6  }
0x98: {  	s28 =	sadd.s32 $0x1, s28  }
0x99: {  	p0 =	sne.s32 s28, $0x8  }
.Ltmp5:
0x9a: {  	v1 =	vadd.f32 v3, v1;
	(pc) =	sbr.rel @p0 .LBB2_10-.Ltmp5, $4  }
0x9b: {  	[tilespmem:s31+$0x0] =	vst v6;
	v2 =	vadd.f32 v5, v2  }
0x9c: {  	[tilespmem:s31+$0x10] =	vst v1;
	v0 =	vadd.f32 v0, v4  }
0x9d: {  	[tilespmem:s31+$0x20] =	vst v2  }
0x9e: {  	s29 =	sadd.s32 $0x80, s29;
	s30 =	sadd.s32 $0x80, s30;
	[tilespmem:s31+$0xFFFFFFC0] =	vst v0  }
0x9f: {  	s28 =	simm.s32 $0x0  }
0xa0: {  	[hbm4b:s10+s28] =	stream.linear.scatter [tilespmem:s15], [sflag:$0x8], $0x2000, $0x38;
	[tilespmem:$0xA000] =	vst v63  }
0xa1: {  	_ =	swait.ge [sflag:s21], $0x2000  }
0xa2: {  	[sflag:s21] =	ssyncset.done $0x0  }
0xa3: {  	s29 =	simm.s32 $0x40;
	s30 =	simm.s32 $0x8040;
	[sflag:s21] =	ssyncadd.s32 $0xFFFFE000  }
.LBB2_14:
0xa4: {  	v1 =	vld [tilespmem:s30+$0x30]  }
0xa5: {  	v2 =	vld [tilespmem:s29+$0x30]  }
0xa6: {  	v0 =	vld [tilespmem:s29+$0xFFFFFFC0]  }
0xa7: {  	v3 =	vld [tilespmem:s30+$0xFFFFFFD0]  }
0xa8: {  	v4 =	vld [tilespmem:s29+$0xFFFFFFD0]  }
0xa9: {  	v5 =	vld [tilespmem:s30+$0xFFFFFFE0]  }
0xaa: {  	v6 =	vld [tilespmem:s29+$0xFFFFFFE0]  }
0xab: {  	v7 =	vld [tilespmem:s30+$0xFFFFFFF0]  }
0xac: {  	v8 =	vld [tilespmem:s29+$0xFFFFFFF0]  }
0xad: {  	v9 =	vld [tilespmem:s30+$0x0]  }
0xae: {  	v10 =	vld [tilespmem:s29+$0x0];
	v2 =	vadd.f32 v2, v1  }
0xaf: {  	v4 =	vadd.f32 v4, v3;
	v1 =	vld [tilespmem:s30+$0x10]  }
0xb0: {  	v5 =	vadd.f32 v6, v5;
	v3 =	vld [tilespmem:s29+$0x10];
	[tilespmem:s30+$0x30] =	vst v2  }
0xb1: {  	v6 =	vadd.f32 v8, v7;
	[tilespmem:s30+$0xFFFFFFD0] =	vst v4;
	v2 =	vld [tilespmem:s30+$0x20]  }
0xb2: {  	s0 =	simm.s32 $0x0;
	[tilespmem:s30+$0xFFFFFFE0] =	vst v5;
	v5 =	vld [tilespmem:s29+$0x20]  }
0xb3: {  	s1 =	sadd.s32 $0x400, s30;
	s4 =	smov.u32 s29;
	s31 =	smov.u32 s30;
	v4 =	vld [tilespmem:s30+$0xFFFFFFC0];
	[tilespmem:s30+$0xFFFFFFF0] =	vst v6;
	v6 =	vadd.f32 v10, v9  }
.LBB2_15:
0xb4: {  	v7 =	vld [tilespmem:s1+$0x30];
	s4 =	sadd.s32 $0x400, s4  }
0xb5: {  	s0 =	sadd.s32 $0x80, s0;
	v8 =	vld [tilespmem:s4+$0x30];
	[tilespmem:s31+$0x0] =	vst v6;
	v1 =	vadd.f32 v3, v1  }
0xb6: {  	p0 =	slt.u32 s0, $0x380;
	v3 =	vld [tilespmem:s4+$0xFFFFFFC0]  }
0xb7: {  	v6 =	vld [tilespmem:s1+$0xFFFFFFD0];
	[tilespmem:s31+$0x10] =	vst v1;
	v1 =	vadd.f32 v5, v2  }
0xb8: {  	v2 =	vld [tilespmem:s4+$0xFFFFFFD0];
	v9 =	vadd.f32 v0, v4  }
0xb9: {  	v4 =	vld [tilespmem:s1+$0xFFFFFFE0];
	[tilespmem:s31+$0x20] =	vst v1  }
0xba: {  	v1 =	vld [tilespmem:s4+$0xFFFFFFE0];
	v5 =	vadd.f32 v8, v7;
	[tilespmem:s31+$0xFFFFFFC0] =	vst v9;
	s31 =	smov.u32 s1  }
0xbb: {  	v7 =	vld [tilespmem:s1+$0xFFFFFFF0];
	v0 =	vmov v3  }
0xbc: {  	v8 =	vld [tilespmem:s4+$0xFFFFFFF0];
	[tilespmem:s1+$0x30] =	vst v5  }
0xbd: {  	v2 =	vadd.f32 v2, v6;
	v6 =	vld [tilespmem:s1+$0x0]  }
0xbe: {  	v9 =	vld [tilespmem:s4+$0x0]  }
.Ltmp6:
0xbf: {  	[tilespmem:s1+$0xFFFFFFD0] =	vst v2;
	v2 =	vadd.f32 v1, v4;
	v1 =	vld [tilespmem:s1+$0x10];
	(pc) =	sbr.rel @p0 .LBB2_15-.Ltmp6, $4  }
0xc0: {  	v3 =	vld [tilespmem:s4+$0x10]  }
0xc1: {  	[tilespmem:s1+$0xFFFFFFE0] =	vst v2;
	v7 =	vadd.f32 v8, v7;
	v2 =	vld [tilespmem:s1+$0x20]  }
0xc2: {  	v5 =	vld [tilespmem:s4+$0x20]  }
0xc3: {  	s1 =	sadd.s32 $0x400, s1;
	v4 =	vld [tilespmem:s31+$0xFFFFFFC0];
	[tilespmem:s31+$0xFFFFFFF0] =	vst v7;
	v6 =	vadd.f32 v9, v6  }
0xc4: {  	s28 =	sadd.s32 $0x1, s28  }
0xc5: {  	p0 =	sne.s32 s28, $0x8  }
.Ltmp7:
0xc6: {  	v1 =	vadd.f32 v3, v1;
	(pc) =	sbr.rel @p0 .LBB2_14-.Ltmp7, $4  }
0xc7: {  	[tilespmem:s31+$0x0] =	vst v6;
	v2 =	vadd.f32 v5, v2  }
0xc8: {  	[tilespmem:s31+$0x10] =	vst v1;
	v0 =	vadd.f32 v0, v4  }
0xc9: {  	[tilespmem:s31+$0x20] =	vst v2  }
0xca: {  	s29 =	sadd.s32 $0x80, s29;
	s30 =	sadd.s32 $0x80, s30;
	[tilespmem:s31+$0xFFFFFFC0] =	vst v0  }
0xcb: {  	[hbm4b:s11+s2] =	stream.linear.scatter [tilespmem:s16], [sflag:$0x9], $0x2000, $0x38;
	[tilespmem:$0xA000] =	vst v63  }
0xcc: {  	_ =	swait.ge [sflag:s22], $0x2000  }
0xcd: {  	[sflag:s22] =	ssyncset.done $0x0  }
0xce: {  	[sflag:s22] =	ssyncadd.s32 $0xFFFFE000  }
0xcf: {  	_ =	swait.ge [sflag:s23], $0x2000  }
0xd0: {  	[sflag:s23] =	ssyncset.done $0x0  }
0xd1: {  	s26 =	sadd.s32 $0x1, s26;
	[sflag:s23] =	ssyncadd.s32 $0xFFFFE000  }
0xd2: {  	p0 =	sne.s32 s26, s12;
	_ =	swait.ge [sflag:s24], $0x2000  }
.Ltmp8:
0xd3: {  	[sflag:s24] =	ssyncset.done $0x0;
	(pc) =	sbr.rel @p0 .LBB2_1-.Ltmp8, $4  }
0xd4: {  	[sflag:s24] =	ssyncadd.s32 $0xFFFFE000  }
0xd5: {  	_ =	swait.ge [sflag:s25], $0x2000  }
0xd6: {  	[sflag:s25] =	ssyncset.done $0x0  }
0xd7: {  	[sflag:s25] =	ssyncadd.s32 $0xFFFFE000  }
0xd8: {  	_ =	sfence.sel $0x180000  }
0xd9: {  	[bflag:$0x0] =	sbarrier.arrive $0xFFFF  }
0xda: {  	_ =	strace $0x90000047  }
0xdb: {  	s0 =	stileid.u32;
	[bflag:$0x2] =	sbarrier.arrive $0xFFFF  }
0xdc: {  	p0 =	sne.s32 s0, $0x0;
	s0 =	rddreg [dreg:$0x3]  }
0xdd: {  	s0 =	sadd.s32 @!p0 $0x100000, s0  }
0xde: {  	[sflag:s0] =	ssyncadd.tile.s32 @!p0 $0x1;
	_ =	shalt  }
.Lfunc_end2:
_tile_overlayer_lowered:
.L_overlay_start_2:
0xdf: {  	(tag) =	ssettag $0x2  }
0xe0: {  	s0 =	rddreg [dreg:$0x0];
	s2 =	stileid.u32  }
0xe1: {  	s1 =	rddreg [dreg:$0x1];
	p0 =	sne.s32 s2, $0x0  }
0xe2: {  	s3 =	rddreg [dreg:$0x2];
	[bflag:$0x3] =	sbarrier.arrive $0xFFFF;
	s2 =	simm.s32 @!p0 $0x1C0A  }
0xe3: {  	[timem:s3], [sflag:s2] =	dma.local @!p0 [hbm:s0], s1  }
0xe4: {  	s0 =	simm.s32 @!p0 $0xA  }
0xe5: {  	_ =	swait.ge @!p0 [sflag:s0], s1  }
0xe6: {  	s1 =	ssub.s32 @!p0 $0x0, s1;
	[sflag:s0] =	ssyncset.done @!p0 $0x0  }
0xe7: {  	[sflag:s0] =	ssyncadd.s32 @!p0 s1  }
0xe8: {  	[bflag:$0x3] =	sbarrier.arrive $0xFFFF  }
0xe9: {  	_ =	shalt  }

</sc_bundles>
